<compile_context>
chip_gen: v7x
topology: tpu7x:2x2x1
jax: 0.10.2.dev20260603
libtpu: 0.0.44.dev20260713+nightly
codegen_flags: <defaults>
</compile_context>

<pallas_src>
import functools

import jax
import jax.numpy as jnp
from jax import lax
from jax.experimental import pallas as pl
from jax.experimental.pallas import tpu as pltpu
from jax.experimental.pallas import tpu_sc as plsc

NUM_CORES = 2
NUM_SUBCORES = 16
CHUNK = 128
LOOKAHEAD = 5
NBUF = 2 * LOOKAHEAD


def kernel(input_ids, table):
    batch, seq = input_ids.shape
    vocab, hidden = table.shape
    num_idx = batch * seq
    flat_idx = input_ids.reshape(num_idx)

    num_workers = NUM_CORES * NUM_SUBCORES
    per_worker = num_idx // num_workers
    n_chunks = per_worker // CHUNK
    steady = n_chunks - 2 * LOOKAHEAD
    n_outer = steady // NBUF
    assert steady == n_outer * NBUF

    mesh = plsc.VectorSubcoreMesh(core_axis_name="c", subcore_axis_name="s")

    @functools.partial(
        pl.kernel,
        mesh=mesh,
        out_type=jax.ShapeDtypeStruct((num_idx, hidden), table.dtype),
        scratch_types=[
            pltpu.VMEM((per_worker,), jnp.int32),
        ]
        + [pltpu.VMEM((CHUNK, hidden), jnp.float32)] * NBUF
        + [pltpu.SemaphoreType.DMA] * (2 * NBUF)
        + [pltpu.SemaphoreType.DMA],
        compiler_params=pltpu.CompilerParams(use_tc_tiling_on_sc=False),
    )
    def gather_kernel(table_hbm, idx_hbm, out_hbm, idx_all, *rest):
        bufs = rest[:NBUF]
        g_sem = rest[NBUF:2 * NBUF]
        s_sem = rest[2 * NBUF:3 * NBUF]
        idx_sem = rest[3 * NBUF]

        wid = lax.axis_index("s") * NUM_CORES + lax.axis_index("c")
        base_w = wid * per_worker

        pltpu.async_copy(
            idx_hbm.at[pl.ds(base_w, per_worker)], idx_all, idx_sem).wait()

        def idx_slice(t):
            return idx_all.at[pl.ds(t * CHUNK, CHUNK)]

        def out_slice(t):
            return out_hbm.at[pl.ds(base_w + t * CHUNK, CHUNK)]

        def gather_start(t, b):
            pltpu.make_async_copy(
                table_hbm.at[idx_slice(t)], bufs[b], g_sem[b]).start()

        def gather_wait(t, b):
            pltpu.make_async_copy(
                table_hbm.at[idx_slice(t)], bufs[b], g_sem[b]).wait()

        def store_start(t, b):
            pltpu.make_async_copy(bufs[b], out_slice(t), s_sem[b]).start()

        def store_wait(t, b):
            pltpu.make_async_copy(bufs[b], out_slice(t), s_sem[b]).wait()

        for t in range(LOOKAHEAD):
            gather_start(t, t)
        for t in range(LOOKAHEAD):
            gather_wait(t, t)
            store_start(t, t)
            gather_start(t + LOOKAHEAD, t + LOOKAHEAD)

        @pl.loop(0, n_outer)
        def _(k):
            for j in range(NBUF):
                t = LOOKAHEAD + k * NBUF + j
                b = (LOOKAHEAD + j) % NBUF
                b2 = (b + LOOKAHEAD) % NBUF
                gather_wait(t, b)
                store_start(t, b)
                store_wait(t - LOOKAHEAD, b2)
                gather_start(t + LOOKAHEAD, b2)

        for i in range(LOOKAHEAD):
            t = n_chunks - LOOKAHEAD + i
            b = t % NBUF
            gather_wait(t, b)
            store_start(t, b)

        for i in range(NBUF):
            t = n_chunks - NBUF + i
            store_wait(t, t % NBUF)

    out = gather_kernel(table, flat_idx)
    return out.reshape(batch, seq, hidden)

# --- scband reference (transcript-rebuilt; emitter-appended) ---
"""Pipeline reference for scband-arc-embedding-28956669509705 (READ-ONLY COPY).

The authoritative reference and input builder live on the scoring server;
editing this copy changes nothing except your own understanding.
"""

import jax, jax.numpy as jnp
import numpy as np

VOCAB = 1000000
HIDDEN = 64
BATCH = 4096
SEQ = 200

def setup_inputs(seed: int = 0) -> dict:
    key = jax.random.key(seed)
    k_idx, k_tab = jax.random.split(key)
    input_ids = jax.random.randint(k_idx, (BATCH, SEQ), 0, VOCAB, dtype=jnp.int64 if jax.config.jax_enable_x64 else jnp.int32)
    table = jax.random.normal(k_tab, (VOCAB, HIDDEN), dtype=jnp.float32) * 0.02
    return {"input_ids": input_ids, "table": table}

def reference(input_ids, table):
    # Faithful translation of ArcEmbedding.forward: nn.Embedding lookup on input_ids
    return jnp.take(table, input_ids, axis=0)

if __name__ == "__main__":
    import jax
    _d = setup_inputs()
    print(jax.jit(kernel)(*tuple(_d.values())))

</pallas_src>

<mosaic_0001>
#map = affine_map<(d0, d1) -> (0, 0)>
#map1 = affine_map<(d0, d1) -> (0)>
module attributes {stable_mosaic.version = 14 : i64} {
  func.func @gather_kernel(%arg0: i32, %arg1: i32, %arg2: memref<1000000x64xf32, #tpu.memory_space<hbm>>, %arg3: memref<819200xi32, #tpu.memory_space<hbm>>, %arg4: memref<819200x64xf32, #tpu.memory_space<hbm>>, %arg5: memref<25600xi32, #tpu.memory_space<vmem>>, %arg6: memref<128x64xf32, #tpu.memory_space<vmem>>, %arg7: memref<128x64xf32, #tpu.memory_space<vmem>>, %arg8: memref<128x64xf32, #tpu.memory_space<vmem>>, %arg9: memref<128x64xf32, #tpu.memory_space<vmem>>, %arg10: memref<128x64xf32, #tpu.memory_space<vmem>>, %arg11: memref<128x64xf32, #tpu.memory_space<vmem>>, %arg12: memref<128x64xf32, #tpu.memory_space<vmem>>, %arg13: memref<128x64xf32, #tpu.memory_space<vmem>>, %arg14: memref<128x64xf32, #tpu.memory_space<vmem>>, %arg15: memref<128x64xf32, #tpu.memory_space<vmem>>, %arg16: memref<!tpu.dma_semaphore, #tpu.memory_space<semaphore_mem>>, %arg17: memref<!tpu.dma_semaphore, #tpu.memory_space<semaphore_mem>>, %arg18: memref<!tpu.dma_semaphore, #tpu.memory_space<semaphore_mem>>, %arg19: memref<!tpu.dma_semaphore, #tpu.memory_space<semaphore_mem>>, %arg20: memref<!tpu.dma_semaphore, #tpu.memory_space<semaphore_mem>>, %arg21: memref<!tpu.dma_semaphore, #tpu.memory_space<semaphore_mem>>, %arg22: memref<!tpu.dma_semaphore, #tpu.memory_space<semaphore_mem>>, %arg23: memref<!tpu.dma_semaphore, #tpu.memory_space<semaphore_mem>>, %arg24: memref<!tpu.dma_semaphore, #tpu.memory_space<semaphore_mem>>, %arg25: memref<!tpu.dma_semaphore, #tpu.memory_space<semaphore_mem>>, %arg26: memref<!tpu.dma_semaphore, #tpu.memory_space<semaphore_mem>>, %arg27: memref<!tpu.dma_semaphore, #tpu.memory_space<semaphore_mem>>, %arg28: memref<!tpu.dma_semaphore, #tpu.memory_space<semaphore_mem>>, %arg29: memref<!tpu.dma_semaphore, #tpu.memory_space<semaphore_mem>>, %arg30: memref<!tpu.dma_semaphore, #tpu.memory_space<semaphore_mem>>, %arg31: memref<!tpu.dma_semaphore, #tpu.memory_space<semaphore_mem>>, %arg32: memref<!tpu.dma_semaphore, #tpu.memory_space<semaphore_mem>>, %arg33: memref<!tpu.dma_semaphore, #tpu.memory_space<semaphore_mem>>, %arg34: memref<!tpu.dma_semaphore, #tpu.memory_space<semaphore_mem>>, %arg35: memref<!tpu.dma_semaphore, #tpu.memory_space<semaphore_mem>>, %arg36: memref<!tpu.dma_semaphore, #tpu.memory_space<semaphore_mem>>) attributes {dimension_semantics = [#tpu.dimension_semantics<core_parallel>, #tpu.dimension_semantics<subcore_parallel>], iteration_bounds = array<i64: 2, 16>, scalar_prefetch = 0 : i64, scratch_operands = 32 : i64, tpu.core_type = #tpu.core_type<sc_vector_subcore>, window_params = [{transform_indices = #map}, {transform_indices = #map1}, {transform_indices = #map}]} {
    %mul3A = arith.constant 2 : i32
    %mul3A_0 = arith.muli %arg1, %mul3A : i32
    %add3A = arith.addi %mul3A_0, %arg0 : i32
    %mul3A_1 = arith.constant 25600 : i32
    %mul3A_2 = arith.muli %add3A, %mul3A_1 : i32
    %dma_start3A = tpu.memref_slice %arg3[%mul3A_2] : memref<819200xi32, #tpu.memory_space<hbm>> -> memref<25600xi32, #tpu.memory_space<hbm>>
    %dma_start3A_3 = tpu.memref_slice %arg3[%mul3A_2] : memref<819200xi32, #tpu.memory_space<hbm>> -> memref<25600xi32, #tpu.memory_space<hbm>>
    tpu.enqueue_dma source(%dma_start3A_3 : memref<25600xi32, #tpu.memory_space<hbm>>) target(%arg5 : memref<25600xi32, #tpu.memory_space<vmem>>) target_semaphore(%arg36 : memref<!tpu.dma_semaphore, #tpu.memory_space<semaphore_mem>>)
    %dma_wait3A = tpu.memref_slice %arg3[%mul3A_2] : memref<819200xi32, #tpu.memory_space<hbm>> -> memref<25600xi32, #tpu.memory_space<hbm>>
    %dma_wait3A_4 = tpu.memref_slice %arg3[%mul3A_2] : memref<819200xi32, #tpu.memory_space<hbm>> -> memref<25600xi32, #tpu.memory_space<hbm>>
    tpu.wait_dma2 semaphore(%arg36 : memref<!tpu.dma_semaphore, #tpu.memory_space<semaphore_mem>>) src(%dma_wait3A_4 : memref<25600xi32, #tpu.memory_space<hbm>>) dst(%arg5 : memref<25600xi32, #tpu.memory_space<vmem>>)
    %dma_start3A_5 = arith.constant 0 : i32
    %dma_start3A_6 = tpu.memref_slice %arg5[%dma_start3A_5] : memref<25600xi32, #tpu.memory_space<vmem>> -> memref<128xi32, #tpu.memory_space<vmem>>
    %dma_start3A_7 = arith.constant 0 : i32
    %dma_start3A_8 = arith.constant 0 : i32
    %dma_start3A_9 = tpu.memref_slice %arg2[%dma_start3A_7, %dma_start3A_8] : memref<1000000x64xf32, #tpu.memory_space<hbm>> -> memref<1000000x64xf32, #tpu.memory_space<hbm>>
    tpu.enqueue_indirect_dma source(%dma_start3A_9 : memref<1000000x64xf32, #tpu.memory_space<hbm>>) target(%arg6 : memref<128x64xf32, #tpu.memory_space<vmem>>) offsets(%dma_start3A_6 : memref<128xi32, #tpu.memory_space<vmem>>) semaphore(%arg16 : memref<!tpu.dma_semaphore, #tpu.memory_space<semaphore_mem>>)
    %dma_start3A_10 = arith.constant 128 : i32
    %dma_start3A_11 = tpu.memref_slice %arg5[%dma_start3A_10] : memref<25600xi32, #tpu.memory_space<vmem>> -> memref<128xi32, #tpu.memory_space<vmem>>
    %dma_start3A_12 = arith.constant 0 : i32
    %dma_start3A_13 = arith.constant 0 : i32
    %dma_start3A_14 = tpu.memref_slice %arg2[%dma_start3A_12, %dma_start3A_13] : memref<1000000x64xf32, #tpu.memory_space<hbm>> -> memref<1000000x64xf32, #tpu.memory_space<hbm>>
    tpu.enqueue_indirect_dma source(%dma_start3A_14 : memref<1000000x64xf32, #tpu.memory_space<hbm>>) target(%arg7 : memref<128x64xf32, #tpu.memory_space<vmem>>) offsets(%dma_start3A_11 : memref<128xi32, #tpu.memory_space<vmem>>) semaphore(%arg17 : memref<!tpu.dma_semaphore, #tpu.memory_space<semaphore_mem>>)
    %dma_start3A_15 = arith.constant 256 : i32
    %dma_start3A_16 = tpu.memref_slice %arg5[%dma_start3A_15] : memref<25600xi32, #tpu.memory_space<vmem>> -> memref<128xi32, #tpu.memory_space<vmem>>
    %dma_start3A_17 = arith.constant 0 : i32
    %dma_start3A_18 = arith.constant 0 : i32
    %dma_start3A_19 = tpu.memref_slice %arg2[%dma_start3A_17, %dma_start3A_18] : memref<1000000x64xf32, #tpu.memory_space<hbm>> -> memref<1000000x64xf32, #tpu.memory_space<hbm>>
    tpu.enqueue_indirect_dma source(%dma_start3A_19 : memref<1000000x64xf32, #tpu.memory_space<hbm>>) target(%arg8 : memref<128x64xf32, #tpu.memory_space<vmem>>) offsets(%dma_start3A_16 : memref<128xi32, #tpu.memory_space<vmem>>) semaphore(%arg18 : memref<!tpu.dma_semaphore, #tpu.memory_space<semaphore_mem>>)
    %dma_start3A_20 = arith.constant 384 : i32
    %dma_start3A_21 = tpu.memref_slice %arg5[%dma_start3A_20] : memref<25600xi32, #tpu.memory_space<vmem>> -> memref<128xi32, #tpu.memory_space<vmem>>
    %dma_start3A_22 = arith.constant 0 : i32
    %dma_start3A_23 = arith.constant 0 : i32
    %dma_start3A_24 = tpu.memref_slice %arg2[%dma_start3A_22, %dma_start3A_23] : memref<1000000x64xf32, #tpu.memory_space<hbm>> -> memref<1000000x64xf32, #tpu.memory_space<hbm>>
    tpu.enqueue_indirect_dma source(%dma_start3A_24 : memref<1000000x64xf32, #tpu.memory_space<hbm>>) target(%arg9 : memref<128x64xf32, #tpu.memory_space<vmem>>) offsets(%dma_start3A_21 : memref<128xi32, #tpu.memory_space<vmem>>) semaphore(%arg19 : memref<!tpu.dma_semaphore, #tpu.memory_space<semaphore_mem>>)
    %dma_start3A_25 = arith.constant 512 : i32
    %dma_start3A_26 = tpu.memref_slice %arg5[%dma_start3A_25] : memref<25600xi32, #tpu.memory_space<vmem>> -> memref<128xi32, #tpu.memory_space<vmem>>
    %dma_start3A_27 = arith.constant 0 : i32
    %dma_start3A_28 = arith.constant 0 : i32
    %dma_start3A_29 = tpu.memref_slice %arg2[%dma_start3A_27, %dma_start3A_28] : memref<1000000x64xf32, #tpu.memory_space<hbm>> -> memref<1000000x64xf32, #tpu.memory_space<hbm>>
    tpu.enqueue_indirect_dma source(%dma_start3A_29 : memref<1000000x64xf32, #tpu.memory_space<hbm>>) target(%arg10 : memref<128x64xf32, #tpu.memory_space<vmem>>) offsets(%dma_start3A_26 : memref<128xi32, #tpu.memory_space<vmem>>) semaphore(%arg20 : memref<!tpu.dma_semaphore, #tpu.memory_space<semaphore_mem>>)
    %dma_wait3A_30 = arith.constant 0 : i32
    %dma_wait3A_31 = tpu.memref_slice %arg5[%dma_wait3A_30] : memref<25600xi32, #tpu.memory_space<vmem>> -> memref<128xi32, #tpu.memory_space<vmem>>
    %dma_wait3A_32 = arith.constant 0 : i32
    %dma_wait3A_33 = arith.constant 0 : i32
    %dma_wait3A_34 = tpu.memref_slice %arg2[%dma_wait3A_32, %dma_wait3A_33] : memref<1000000x64xf32, #tpu.memory_space<hbm>> -> memref<1000000x64xf32, #tpu.memory_space<hbm>>
    tpu.wait_indirect_dma semaphore(%arg16 : memref<!tpu.dma_semaphore, #tpu.memory_space<semaphore_mem>>) src(%dma_wait3A_34 : memref<1000000x64xf32, #tpu.memory_space<hbm>>) dst(%arg6 : memref<128x64xf32, #tpu.memory_space<vmem>>)
    %add3A_35 = arith.constant 0 : i32
    %add3A_36 = arith.addi %mul3A_2, %add3A_35 : i32
    %dma_start3A_37 = arith.constant 0 : i32
    %dma_start3A_38 = tpu.memref_slice %arg4[%add3A_36, %dma_start3A_37] : memref<819200x64xf32, #tpu.memory_space<hbm>> -> memref<128x64xf32, #tpu.memory_space<hbm>>
    %dma_start3A_39 = arith.constant 0 : i32
    %dma_start3A_40 = tpu.memref_slice %arg4[%add3A_36, %dma_start3A_39] : memref<819200x64xf32, #tpu.memory_space<hbm>> -> memref<128x64xf32, #tpu.memory_space<hbm>>
    tpu.enqueue_dma source(%arg6 : memref<128x64xf32, #tpu.memory_space<vmem>>) target(%dma_start3A_40 : memref<128x64xf32, #tpu.memory_space<hbm>>) target_semaphore(%arg26 : memref<!tpu.dma_semaphore, #tpu.memory_space<semaphore_mem>>)
    %dma_start3A_41 = arith.constant 640 : i32
    %dma_start3A_42 = tpu.memref_slice %arg5[%dma_start3A_41] : memref<25600xi32, #tpu.memory_space<vmem>> -> memref<128xi32, #tpu.memory_space<vmem>>
    %dma_start3A_43 = arith.constant 0 : i32
    %dma_start3A_44 = arith.constant 0 : i32
    %dma_start3A_45 = tpu.memref_slice %arg2[%dma_start3A_43, %dma_start3A_44] : memref<1000000x64xf32, #tpu.memory_space<hbm>> -> memref<1000000x64xf32, #tpu.memory_space<hbm>>
    tpu.enqueue_indirect_dma source(%dma_start3A_45 : memref<1000000x64xf32, #tpu.memory_space<hbm>>) target(%arg11 : memref<128x64xf32, #tpu.memory_space<vmem>>) offsets(%dma_start3A_42 : memref<128xi32, #tpu.memory_space<vmem>>) semaphore(%arg21 : memref<!tpu.dma_semaphore, #tpu.memory_space<semaphore_mem>>)
    %dma_wait3A_46 = arith.constant 128 : i32
    %dma_wait3A_47 = tpu.memref_slice %arg5[%dma_wait3A_46] : memref<25600xi32, #tpu.memory_space<vmem>> -> memref<128xi32, #tpu.memory_space<vmem>>
    %dma_wait3A_48 = arith.constant 0 : i32
    %dma_wait3A_49 = arith.constant 0 : i32
    %dma_wait3A_50 = tpu.memref_slice %arg2[%dma_wait3A_48, %dma_wait3A_49] : memref<1000000x64xf32, #tpu.memory_space<hbm>> -> memref<1000000x64xf32, #tpu.memory_space<hbm>>
    tpu.wait_indirect_dma semaphore(%arg17 : memref<!tpu.dma_semaphore, #tpu.memory_space<semaphore_mem>>) src(%dma_wait3A_50 : memref<1000000x64xf32, #tpu.memory_space<hbm>>) dst(%arg7 : memref<128x64xf32, #tpu.memory_space<vmem>>)
    %add3A_51 = arith.constant 128 : i32
    %add3A_52 = arith.addi %mul3A_2, %add3A_51 : i32
    %dma_start3A_53 = arith.constant 0 : i32
    %dma_start3A_54 = tpu.memref_slice %arg4[%add3A_52, %dma_start3A_53] : memref<819200x64xf32, #tpu.memory_space<hbm>> -> memref<128x64xf32, #tpu.memory_space<hbm>>
    %dma_start3A_55 = arith.constant 0 : i32
    %dma_start3A_56 = tpu.memref_slice %arg4[%add3A_52, %dma_start3A_55] : memref<819200x64xf32, #tpu.memory_space<hbm>> -> memref<128x64xf32, #tpu.memory_space<hbm>>
    tpu.enqueue_dma source(%arg7 : memref<128x64xf32, #tpu.memory_space<vmem>>) target(%dma_start3A_56 : memref<128x64xf32, #tpu.memory_space<hbm>>) target_semaphore(%arg27 : memref<!tpu.dma_semaphore, #tpu.memory_space<semaphore_mem>>)
    %dma_start3A_57 = arith.constant 768 : i32
    %dma_start3A_58 = tpu.memref_slice %arg5[%dma_start3A_57] : memref<25600xi32, #tpu.memory_space<vmem>> -> memref<128xi32, #tpu.memory_space<vmem>>
    %dma_start3A_59 = arith.constant 0 : i32
    %dma_start3A_60 = arith.constant 0 : i32
    %dma_start3A_61 = tpu.memref_slice %arg2[%dma_start3A_59, %dma_start3A_60] : memref<1000000x64xf32, #tpu.memory_space<hbm>> -> memref<1000000x64xf32, #tpu.memory_space<hbm>>
    tpu.enqueue_indirect_dma source(%dma_start3A_61 : memref<1000000x64xf32, #tpu.memory_space<hbm>>) target(%arg12 : memref<128x64xf32, #tpu.memory_space<vmem>>) offsets(%dma_start3A_58 : memref<128xi32, #tpu.memory_space<vmem>>) semaphore(%arg22 : memref<!tpu.dma_semaphore, #tpu.memory_space<semaphore_mem>>)
    %dma_wait3A_62 = arith.constant 256 : i32
    %dma_wait3A_63 = tpu.memref_slice %arg5[%dma_wait3A_62] : memref<25600xi32, #tpu.memory_space<vmem>> -> memref<128xi32, #tpu.memory_space<vmem>>
    %dma_wait3A_64 = arith.constant 0 : i32
    %dma_wait3A_65 = arith.constant 0 : i32
    %dma_wait3A_66 = tpu.memref_slice %arg2[%dma_wait3A_64, %dma_wait3A_65] : memref<1000000x64xf32, #tpu.memory_space<hbm>> -> memref<1000000x64xf32, #tpu.memory_space<hbm>>
    tpu.wait_indirect_dma semaphore(%arg18 : memref<!tpu.dma_semaphore, #tpu.memory_space<semaphore_mem>>) src(%dma_wait3A_66 : memref<1000000x64xf32, #tpu.memory_space<hbm>>) dst(%arg8 : memref<128x64xf32, #tpu.memory_space<vmem>>)
    %add3A_67 = arith.constant 256 : i32
    %add3A_68 = arith.addi %mul3A_2, %add3A_67 : i32
    %dma_start3A_69 = arith.constant 0 : i32
    %dma_start3A_70 = tpu.memref_slice %arg4[%add3A_68, %dma_start3A_69] : memref<819200x64xf32, #tpu.memory_space<hbm>> -> memref<128x64xf32, #tpu.memory_space<hbm>>
    %dma_start3A_71 = arith.constant 0 : i32
    %dma_start3A_72 = tpu.memref_slice %arg4[%add3A_68, %dma_start3A_71] : memref<819200x64xf32, #tpu.memory_space<hbm>> -> memref<128x64xf32, #tpu.memory_space<hbm>>
    tpu.enqueue_dma source(%arg8 : memref<128x64xf32, #tpu.memory_space<vmem>>) target(%dma_start3A_72 : memref<128x64xf32, #tpu.memory_space<hbm>>) target_semaphore(%arg28 : memref<!tpu.dma_semaphore, #tpu.memory_space<semaphore_mem>>)
    %dma_start3A_73 = arith.constant 896 : i32
    %dma_start3A_74 = tpu.memref_slice %arg5[%dma_start3A_73] : memref<25600xi32, #tpu.memory_space<vmem>> -> memref<128xi32, #tpu.memory_space<vmem>>
    %dma_start3A_75 = arith.constant 0 : i32
    %dma_start3A_76 = arith.constant 0 : i32
    %dma_start3A_77 = tpu.memref_slice %arg2[%dma_start3A_75, %dma_start3A_76] : memref<1000000x64xf32, #tpu.memory_space<hbm>> -> memref<1000000x64xf32, #tpu.memory_space<hbm>>
    tpu.enqueue_indirect_dma source(%dma_start3A_77 : memref<1000000x64xf32, #tpu.memory_space<hbm>>) target(%arg13 : memref<128x64xf32, #tpu.memory_space<vmem>>) offsets(%dma_start3A_74 : memref<128xi32, #tpu.memory_space<vmem>>) semaphore(%arg23 : memref<!tpu.dma_semaphore, #tpu.memory_space<semaphore_mem>>)
    %dma_wait3A_78 = arith.constant 384 : i32
    %dma_wait3A_79 = tpu.memref_slice %arg5[%dma_wait3A_78] : memref<25600xi32, #tpu.memory_space<vmem>> -> memref<128xi32, #tpu.memory_space<vmem>>
    %dma_wait3A_80 = arith.constant 0 : i32
    %dma_wait3A_81 = arith.constant 0 : i32
    %dma_wait3A_82 = tpu.memref_slice %arg2[%dma_wait3A_80, %dma_wait3A_81] : memref<1000000x64xf32, #tpu.memory_space<hbm>> -> memref<1000000x64xf32, #tpu.memory_space<hbm>>
    tpu.wait_indirect_dma semaphore(%arg19 : memref<!tpu.dma_semaphore, #tpu.memory_space<semaphore_mem>>) src(%dma_wait3A_82 : memref<1000000x64xf32, #tpu.memory_space<hbm>>) dst(%arg9 : memref<128x64xf32, #tpu.memory_space<vmem>>)
    %add3A_83 = arith.constant 384 : i32
    %add3A_84 = arith.addi %mul3A_2, %add3A_83 : i32
    %dma_start3A_85 = arith.constant 0 : i32
    %dma_start3A_86 = tpu.memref_slice %arg4[%add3A_84, %dma_start3A_85] : memref<819200x64xf32, #tpu.memory_space<hbm>> -> memref<128x64xf32, #tpu.memory_space<hbm>>
    %dma_start3A_87 = arith.constant 0 : i32
    %dma_start3A_88 = tpu.memref_slice %arg4[%add3A_84, %dma_start3A_87] : memref<819200x64xf32, #tpu.memory_space<hbm>> -> memref<128x64xf32, #tpu.memory_space<hbm>>
    tpu.enqueue_dma source(%arg9 : memref<128x64xf32, #tpu.memory_space<vmem>>) target(%dma_start3A_88 : memref<128x64xf32, #tpu.memory_space<hbm>>) target_semaphore(%arg29 : memref<!tpu.dma_semaphore, #tpu.memory_space<semaphore_mem>>)
    %dma_start3A_89 = arith.constant 1024 : i32
    %dma_start3A_90 = tpu.memref_slice %arg5[%dma_start3A_89] : memref<25600xi32, #tpu.memory_space<vmem>> -> memref<128xi32, #tpu.memory_space<vmem>>
    %dma_start3A_91 = arith.constant 0 : i32
    %dma_start3A_92 = arith.constant 0 : i32
    %dma_start3A_93 = tpu.memref_slice %arg2[%dma_start3A_91, %dma_start3A_92] : memref<1000000x64xf32, #tpu.memory_space<hbm>> -> memref<1000000x64xf32, #tpu.memory_space<hbm>>
    tpu.enqueue_indirect_dma source(%dma_start3A_93 : memref<1000000x64xf32, #tpu.memory_space<hbm>>) target(%arg14 : memref<128x64xf32, #tpu.memory_space<vmem>>) offsets(%dma_start3A_90 : memref<128xi32, #tpu.memory_space<vmem>>) semaphore(%arg24 : memref<!tpu.dma_semaphore, #tpu.memory_space<semaphore_mem>>)
    %dma_wait3A_94 = arith.constant 512 : i32
    %dma_wait3A_95 = tpu.memref_slice %arg5[%dma_wait3A_94] : memref<25600xi32, #tpu.memory_space<vmem>> -> memref<128xi32, #tpu.memory_space<vmem>>
    %dma_wait3A_96 = arith.constant 0 : i32
    %dma_wait3A_97 = arith.constant 0 : i32
    %dma_wait3A_98 = tpu.memref_slice %arg2[%dma_wait3A_96, %dma_wait3A_97] : memref<1000000x64xf32, #tpu.memory_space<hbm>> -> memref<1000000x64xf32, #tpu.memory_space<hbm>>
    tpu.wait_indirect_dma semaphore(%arg20 : memref<!tpu.dma_semaphore, #tpu.memory_space<semaphore_mem>>) src(%dma_wait3A_98 : memref<1000000x64xf32, #tpu.memory_space<hbm>>) dst(%arg10 : memref<128x64xf32, #tpu.memory_space<vmem>>)
    %add3A_99 = arith.constant 512 : i32
    %add3A_100 = arith.addi %mul3A_2, %add3A_99 : i32
    %dma_start3A_101 = arith.constant 0 : i32
    %dma_start3A_102 = tpu.memref_slice %arg4[%add3A_100, %dma_start3A_101] : memref<819200x64xf32, #tpu.memory_space<hbm>> -> memref<128x64xf32, #tpu.memory_space<hbm>>
    %dma_start3A_103 = arith.constant 0 : i32
    %dma_start3A_104 = tpu.memref_slice %arg4[%add3A_100, %dma_start3A_103] : memref<819200x64xf32, #tpu.memory_space<hbm>> -> memref<128x64xf32, #tpu.memory_space<hbm>>
    tpu.enqueue_dma source(%arg10 : memref<128x64xf32, #tpu.memory_space<vmem>>) target(%dma_start3A_104 : memref<128x64xf32, #tpu.memory_space<hbm>>) target_semaphore(%arg30 : memref<!tpu.dma_semaphore, #tpu.memory_space<semaphore_mem>>)
    %dma_start3A_105 = arith.constant 1152 : i32
    %dma_start3A_106 = tpu.memref_slice %arg5[%dma_start3A_105] : memref<25600xi32, #tpu.memory_space<vmem>> -> memref<128xi32, #tpu.memory_space<vmem>>
    %dma_start3A_107 = arith.constant 0 : i32
    %dma_start3A_108 = arith.constant 0 : i32
    %dma_start3A_109 = tpu.memref_slice %arg2[%dma_start3A_107, %dma_start3A_108] : memref<1000000x64xf32, #tpu.memory_space<hbm>> -> memref<1000000x64xf32, #tpu.memory_space<hbm>>
    tpu.enqueue_indirect_dma source(%dma_start3A_109 : memref<1000000x64xf32, #tpu.memory_space<hbm>>) target(%arg15 : memref<128x64xf32, #tpu.memory_space<vmem>>) offsets(%dma_start3A_106 : memref<128xi32, #tpu.memory_space<vmem>>) semaphore(%arg25 : memref<!tpu.dma_semaphore, #tpu.memory_space<semaphore_mem>>)
    %scan3A = arith.constant 0 : i32
    %scan3A_110 = arith.constant 19 : i32
    %scan3A_111 = arith.addi %scan3A, %scan3A_110 : i32
    %scan3A_112 = arith.constant 1 : i32
    scf.for %scan3A_229 = %scan3A to %scan3A_111 step %scan3A_112  : i32 {
      %mul3A_230 = arith.constant 1 : i32
      %mul3A_231 = arith.muli %scan3A_229, %mul3A_230 : i32
      %add3A_232 = arith.constant 0 : i32
      %add3A_233 = arith.addi %add3A_232, %mul3A_231 : i32
      %mul3A_234 = arith.constant 10 : i32
      %mul3A_235 = arith.muli %add3A_233, %mul3A_234 : i32
      %add3A_236 = arith.constant 5 : i32
      %add3A_237 = arith.addi %add3A_236, %mul3A_235 : i32
      %add3A_238 = arith.constant 0 : i32
      %add3A_239 = arith.addi %add3A_237, %add3A_238 : i32
      %mul3A_240 = arith.constant 128 : i32
      %mul3A_241 = arith.muli %add3A_239, %mul3A_240 : i32
      %dma_wait3A_242 = tpu.memref_slice %arg5[%mul3A_241] : memref<25600xi32, #tpu.memory_space<vmem>> -> memref<128xi32, #tpu.memory_space<vmem>>
      %dma_wait3A_243 = arith.constant 0 : i32
      %dma_wait3A_244 = arith.constant 0 : i32
      %dma_wait3A_245 = tpu.memref_slice %arg2[%dma_wait3A_243, %dma_wait3A_244] : memref<1000000x64xf32, #tpu.memory_space<hbm>> -> memref<1000000x64xf32, #tpu.memory_space<hbm>>
      tpu.wait_indirect_dma semaphore(%arg21 : memref<!tpu.dma_semaphore, #tpu.memory_space<semaphore_mem>>) src(%dma_wait3A_245 : memref<1000000x64xf32, #tpu.memory_space<hbm>>) dst(%arg11 : memref<128x64xf32, #tpu.memory_space<vmem>>)
      %mul3A_246 = arith.constant 128 : i32
      %mul3A_247 = arith.muli %add3A_239, %mul3A_246 : i32
      %add3A_248 = arith.addi %mul3A_2, %mul3A_247 : i32
      %dma_start3A_249 = arith.constant 0 : i32
      %dma_start3A_250 = tpu.memref_slice %arg4[%add3A_248, %dma_start3A_249] : memref<819200x64xf32, #tpu.memory_space<hbm>> -> memref<128x64xf32, #tpu.memory_space<hbm>>
      %dma_start3A_251 = arith.constant 0 : i32
      %dma_start3A_252 = tpu.memref_slice %arg4[%add3A_248, %dma_start3A_251] : memref<819200x64xf32, #tpu.memory_space<hbm>> -> memref<128x64xf32, #tpu.memory_space<hbm>>
      tpu.enqueue_dma source(%arg11 : memref<128x64xf32, #tpu.memory_space<vmem>>) target(%dma_start3A_252 : memref<128x64xf32, #tpu.memory_space<hbm>>) target_semaphore(%arg31 : memref<!tpu.dma_semaphore, #tpu.memory_space<semaphore_mem>>)
      %sub3A = arith.constant 5 : i32
      %sub3A_253 = arith.subi %add3A_239, %sub3A : i32
      %mul3A_254 = arith.constant 128 : i32
      %mul3A_255 = arith.muli %sub3A_253, %mul3A_254 : i32
      %add3A_256 = arith.addi %mul3A_2, %mul3A_255 : i32
      %dma_wait3A_257 = arith.constant 0 : i32
      %dma_wait3A_258 = tpu.memref_slice %arg4[%add3A_256, %dma_wait3A_257] : memref<819200x64xf32, #tpu.memory_space<hbm>> -> memref<128x64xf32, #tpu.memory_space<hbm>>
      %dma_wait3A_259 = arith.constant 0 : i32
      %dma_wait3A_260 = tpu.memref_slice %arg4[%add3A_256, %dma_wait3A_259] : memref<819200x64xf32, #tpu.memory_space<hbm>> -> memref<128x64xf32, #tpu.memory_space<hbm>>
      tpu.wait_dma2 semaphore(%arg26 : memref<!tpu.dma_semaphore, #tpu.memory_space<semaphore_mem>>) src(%arg6 : memref<128x64xf32, #tpu.memory_space<vmem>>) dst(%dma_wait3A_260 : memref<128x64xf32, #tpu.memory_space<hbm>>)
      %add3A_261 = arith.constant 5 : i32
      %add3A_262 = arith.addi %add3A_239, %add3A_261 : i32
      %mul3A_263 = arith.constant 128 : i32
      %mul3A_264 = arith.muli %add3A_262, %mul3A_263 : i32
      %dma_start3A_265 = tpu.memref_slice %arg5[%mul3A_264] : memref<25600xi32, #tpu.memory_space<vmem>> -> memref<128xi32, #tpu.memory_space<vmem>>
      %dma_start3A_266 = arith.constant 0 : i32
      %dma_start3A_267 = arith.constant 0 : i32
      %dma_start3A_268 = tpu.memref_slice %arg2[%dma_start3A_266, %dma_start3A_267] : memref<1000000x64xf32, #tpu.memory_space<hbm>> -> memref<1000000x64xf32, #tpu.memory_space<hbm>>
      tpu.enqueue_indirect_dma source(%dma_start3A_268 : memref<1000000x64xf32, #tpu.memory_space<hbm>>) target(%arg6 : memref<128x64xf32, #tpu.memory_space<vmem>>) offsets(%dma_start3A_265 : memref<128xi32, #tpu.memory_space<vmem>>) semaphore(%arg16 : memref<!tpu.dma_semaphore, #tpu.memory_space<semaphore_mem>>)
      %mul3A_269 = arith.constant 10 : i32
      %mul3A_270 = arith.muli %add3A_233, %mul3A_269 : i32
      %add3A_271 = arith.constant 5 : i32
      %add3A_272 = arith.addi %add3A_271, %mul3A_270 : i32
      %add3A_273 = arith.constant 1 : i32
      %add3A_274 = arith.addi %add3A_272, %add3A_273 : i32
      %mul3A_275 = arith.constant 128 : i32
      %mul3A_276 = arith.muli %add3A_274, %mul3A_275 : i32
      %dma_wait3A_277 = tpu.memref_slice %arg5[%mul3A_276] : memref<25600xi32, #tpu.memory_space<vmem>> -> memref<128xi32, #tpu.memory_space<vmem>>
      %dma_wait3A_278 = arith.constant 0 : i32
      %dma_wait3A_279 = arith.constant 0 : i32
      %dma_wait3A_280 = tpu.memref_slice %arg2[%dma_wait3A_278, %dma_wait3A_279] : memref<1000000x64xf32, #tpu.memory_space<hbm>> -> memref<1000000x64xf32, #tpu.memory_space<hbm>>
      tpu.wait_indirect_dma semaphore(%arg22 : memref<!tpu.dma_semaphore, #tpu.memory_space<semaphore_mem>>) src(%dma_wait3A_280 : memref<1000000x64xf32, #tpu.memory_space<hbm>>) dst(%arg12 : memref<128x64xf32, #tpu.memory_space<vmem>>)
      %mul3A_281 = arith.constant 128 : i32
      %mul3A_282 = arith.muli %add3A_274, %mul3A_281 : i32
      %add3A_283 = arith.addi %mul3A_2, %mul3A_282 : i32
      %dma_start3A_284 = arith.constant 0 : i32
      %dma_start3A_285 = tpu.memref_slice %arg4[%add3A_283, %dma_start3A_284] : memref<819200x64xf32, #tpu.memory_space<hbm>> -> memref<128x64xf32, #tpu.memory_space<hbm>>
      %dma_start3A_286 = arith.constant 0 : i32
      %dma_start3A_287 = tpu.memref_slice %arg4[%add3A_283, %dma_start3A_286] : memref<819200x64xf32, #tpu.memory_space<hbm>> -> memref<128x64xf32, #tpu.memory_space<hbm>>
      tpu.enqueue_dma source(%arg12 : memref<128x64xf32, #tpu.memory_space<vmem>>) target(%dma_start3A_287 : memref<128x64xf32, #tpu.memory_space<hbm>>) target_semaphore(%arg32 : memref<!tpu.dma_semaphore, #tpu.memory_space<semaphore_mem>>)
      %sub3A_288 = arith.constant 5 : i32
      %sub3A_289 = arith.subi %add3A_274, %sub3A_288 : i32
      %mul3A_290 = arith.constant 128 : i32
      %mul3A_291 = arith.muli %sub3A_289, %mul3A_290 : i32
      %add3A_292 = arith.addi %mul3A_2, %mul3A_291 : i32
      %dma_wait3A_293 = arith.constant 0 : i32
      %dma_wait3A_294 = tpu.memref_slice %arg4[%add3A_292, %dma_wait3A_293] : memref<819200x64xf32, #tpu.memory_space<hbm>> -> memref<128x64xf32, #tpu.memory_space<hbm>>
      %dma_wait3A_295 = arith.constant 0 : i32
      %dma_wait3A_296 = tpu.memref_slice %arg4[%add3A_292, %dma_wait3A_295] : memref<819200x64xf32, #tpu.memory_space<hbm>> -> memref<128x64xf32, #tpu.memory_space<hbm>>
      tpu.wait_dma2 semaphore(%arg27 : memref<!tpu.dma_semaphore, #tpu.memory_space<semaphore_mem>>) src(%arg7 : memref<128x64xf32, #tpu.memory_space<vmem>>) dst(%dma_wait3A_296 : memref<128x64xf32, #tpu.memory_space<hbm>>)
      %add3A_297 = arith.constant 5 : i32
      %add3A_298 = arith.addi %add3A_274, %add3A_297 : i32
      %mul3A_299 = arith.constant 128 : i32
      %mul3A_300 = arith.muli %add3A_298, %mul3A_299 : i32
      %dma_start3A_301 = tpu.memref_slice %arg5[%mul3A_300] : memref<25600xi32, #tpu.memory_space<vmem>> -> memref<128xi32, #tpu.memory_space<vmem>>
      %dma_start3A_302 = arith.constant 0 : i32
      %dma_start3A_303 = arith.constant 0 : i32
      %dma_start3A_304 = tpu.memref_slice %arg2[%dma_start3A_302, %dma_start3A_303] : memref<1000000x64xf32, #tpu.memory_space<hbm>> -> memref<1000000x64xf32, #tpu.memory_space<hbm>>
      tpu.enqueue_indirect_dma source(%dma_start3A_304 : memref<1000000x64xf32, #tpu.memory_space<hbm>>) target(%arg7 : memref<128x64xf32, #tpu.memory_space<vmem>>) offsets(%dma_start3A_301 : memref<128xi32, #tpu.memory_space<vmem>>) semaphore(%arg17 : memref<!tpu.dma_semaphore, #tpu.memory_space<semaphore_mem>>)
      %mul3A_305 = arith.constant 10 : i32
      %mul3A_306 = arith.muli %add3A_233, %mul3A_305 : i32
      %add3A_307 = arith.constant 5 : i32
      %add3A_308 = arith.addi %add3A_307, %mul3A_306 : i32
      %add3A_309 = arith.constant 2 : i32
      %add3A_310 = arith.addi %add3A_308, %add3A_309 : i32
      %mul3A_311 = arith.constant 128 : i32
      %mul3A_312 = arith.muli %add3A_310, %mul3A_311 : i32
      %dma_wait3A_313 = tpu.memref_slice %arg5[%mul3A_312] : memref<25600xi32, #tpu.memory_space<vmem>> -> memref<128xi32, #tpu.memory_space<vmem>>
      %dma_wait3A_314 = arith.constant 0 : i32
      %dma_wait3A_315 = arith.constant 0 : i32
      %dma_wait3A_316 = tpu.memref_slice %arg2[%dma_wait3A_314, %dma_wait3A_315] : memref<1000000x64xf32, #tpu.memory_space<hbm>> -> memref<1000000x64xf32, #tpu.memory_space<hbm>>
      tpu.wait_indirect_dma semaphore(%arg23 : memref<!tpu.dma_semaphore, #tpu.memory_space<semaphore_mem>>) src(%dma_wait3A_316 : memref<1000000x64xf32, #tpu.memory_space<hbm>>) dst(%arg13 : memref<128x64xf32, #tpu.memory_space<vmem>>)
      %mul3A_317 = arith.constant 128 : i32
      %mul3A_318 = arith.muli %add3A_310, %mul3A_317 : i32
      %add3A_319 = arith.addi %mul3A_2, %mul3A_318 : i32
      %dma_start3A_320 = arith.constant 0 : i32
      %dma_start3A_321 = tpu.memref_slice %arg4[%add3A_319, %dma_start3A_320] : memref<819200x64xf32, #tpu.memory_space<hbm>> -> memref<128x64xf32, #tpu.memory_space<hbm>>
      %dma_start3A_322 = arith.constant 0 : i32
      %dma_start3A_323 = tpu.memref_slice %arg4[%add3A_319, %dma_start3A_322] : memref<819200x64xf32, #tpu.memory_space<hbm>> -> memref<128x64xf32, #tpu.memory_space<hbm>>
      tpu.enqueue_dma source(%arg13 : memref<128x64xf32, #tpu.memory_space<vmem>>) target(%dma_start3A_323 : memref<128x64xf32, #tpu.memory_space<hbm>>) target_semaphore(%arg33 : memref<!tpu.dma_semaphore, #tpu.memory_space<semaphore_mem>>)
      %sub3A_324 = arith.constant 5 : i32
      %sub3A_325 = arith.subi %add3A_310, %sub3A_324 : i32
      %mul3A_326 = arith.constant 128 : i32
      %mul3A_327 = arith.muli %sub3A_325, %mul3A_326 : i32
      %add3A_328 = arith.addi %mul3A_2, %mul3A_327 : i32
      %dma_wait3A_329 = arith.constant 0 : i32
      %dma_wait3A_330 = tpu.memref_slice %arg4[%add3A_328, %dma_wait3A_329] : memref<819200x64xf32, #tpu.memory_space<hbm>> -> memref<128x64xf32, #tpu.memory_space<hbm>>
      %dma_wait3A_331 = arith.constant 0 : i32
      %dma_wait3A_332 = tpu.memref_slice %arg4[%add3A_328, %dma_wait3A_331] : memref<819200x64xf32, #tpu.memory_space<hbm>> -> memref<128x64xf32, #tpu.memory_space<hbm>>
      tpu.wait_dma2 semaphore(%arg28 : memref<!tpu.dma_semaphore, #tpu.memory_space<semaphore_mem>>) src(%arg8 : memref<128x64xf32, #tpu.memory_space<vmem>>) dst(%dma_wait3A_332 : memref<128x64xf32, #tpu.memory_space<hbm>>)
      %add3A_333 = arith.constant 5 : i32
      %add3A_334 = arith.addi %add3A_310, %add3A_333 : i32
      %mul3A_335 = arith.constant 128 : i32
      %mul3A_336 = arith.muli %add3A_334, %mul3A_335 : i32
      %dma_start3A_337 = tpu.memref_slice %arg5[%mul3A_336] : memref<25600xi32, #tpu.memory_space<vmem>> -> memref<128xi32, #tpu.memory_space<vmem>>
      %dma_start3A_338 = arith.constant 0 : i32
      %dma_start3A_339 = arith.constant 0 : i32
      %dma_start3A_340 = tpu.memref_slice %arg2[%dma_start3A_338, %dma_start3A_339] : memref<1000000x64xf32, #tpu.memory_space<hbm>> -> memref<1000000x64xf32, #tpu.memory_space<hbm>>
      tpu.enqueue_indirect_dma source(%dma_start3A_340 : memref<1000000x64xf32, #tpu.memory_space<hbm>>) target(%arg8 : memref<128x64xf32, #tpu.memory_space<vmem>>) offsets(%dma_start3A_337 : memref<128xi32, #tpu.memory_space<vmem>>) semaphore(%arg18 : memref<!tpu.dma_semaphore, #tpu.memory_space<semaphore_mem>>)
      %mul3A_341 = arith.constant 10 : i32
      %mul3A_342 = arith.muli %add3A_233, %mul3A_341 : i32
      %add3A_343 = arith.constant 5 : i32
      %add3A_344 = arith.addi %add3A_343, %mul3A_342 : i32
      %add3A_345 = arith.constant 3 : i32
      %add3A_346 = arith.addi %add3A_344, %add3A_345 : i32
      %mul3A_347 = arith.constant 128 : i32
      %mul3A_348 = arith.muli %add3A_346, %mul3A_347 : i32
      %dma_wait3A_349 = tpu.memref_slice %arg5[%mul3A_348] : memref<25600xi32, #tpu.memory_space<vmem>> -> memref<128xi32, #tpu.memory_space<vmem>>
      %dma_wait3A_350 = arith.constant 0 : i32
      %dma_wait3A_351 = arith.constant 0 : i32
      %dma_wait3A_352 = tpu.memref_slice %arg2[%dma_wait3A_350, %dma_wait3A_351] : memref<1000000x64xf32, #tpu.memory_space<hbm>> -> memref<1000000x64xf32, #tpu.memory_space<hbm>>
      tpu.wait_indirect_dma semaphore(%arg24 : memref<!tpu.dma_semaphore, #tpu.memory_space<semaphore_mem>>) src(%dma_wait3A_352 : memref<1000000x64xf32, #tpu.memory_space<hbm>>) dst(%arg14 : memref<128x64xf32, #tpu.memory_space<vmem>>)
      %mul3A_353 = arith.constant 128 : i32
      %mul3A_354 = arith.muli %add3A_346, %mul3A_353 : i32
      %add3A_355 = arith.addi %mul3A_2, %mul3A_354 : i32
      %dma_start3A_356 = arith.constant 0 : i32
      %dma_start3A_357 = tpu.memref_slice %arg4[%add3A_355, %dma_start3A_356] : memref<819200x64xf32, #tpu.memory_space<hbm>> -> memref<128x64xf32, #tpu.memory_space<hbm>>
      %dma_start3A_358 = arith.constant 0 : i32
      %dma_start3A_359 = tpu.memref_slice %arg4[%add3A_355, %dma_start3A_358] : memref<819200x64xf32, #tpu.memory_space<hbm>> -> memref<128x64xf32, #tpu.memory_space<hbm>>
      tpu.enqueue_dma source(%arg14 : memref<128x64xf32, #tpu.memory_space<vmem>>) target(%dma_start3A_359 : memref<128x64xf32, #tpu.memory_space<hbm>>) target_semaphore(%arg34 : memref<!tpu.dma_semaphore, #tpu.memory_space<semaphore_mem>>)
      %sub3A_360 = arith.constant 5 : i32
      %sub3A_361 = arith.subi %add3A_346, %sub3A_360 : i32
      %mul3A_362 = arith.constant 128 : i32
      %mul3A_363 = arith.muli %sub3A_361, %mul3A_362 : i32
      %add3A_364 = arith.addi %mul3A_2, %mul3A_363 : i32
      %dma_wait3A_365 = arith.constant 0 : i32
      %dma_wait3A_366 = tpu.memref_slice %arg4[%add3A_364, %dma_wait3A_365] : memref<819200x64xf32, #tpu.memory_space<hbm>> -> memref<128x64xf32, #tpu.memory_space<hbm>>
      %dma_wait3A_367 = arith.constant 0 : i32
      %dma_wait3A_368 = tpu.memref_slice %arg4[%add3A_364, %dma_wait3A_367] : memref<819200x64xf32, #tpu.memory_space<hbm>> -> memref<128x64xf32, #tpu.memory_space<hbm>>
      tpu.wait_dma2 semaphore(%arg29 : memref<!tpu.dma_semaphore, #tpu.memory_space<semaphore_mem>>) src(%arg9 : memref<128x64xf32, #tpu.memory_space<vmem>>) dst(%dma_wait3A_368 : memref<128x64xf32, #tpu.memory_space<hbm>>)
      %add3A_369 = arith.constant 5 : i32
      %add3A_370 = arith.addi %add3A_346, %add3A_369 : i32
      %mul3A_371 = arith.constant 128 : i32
      %mul3A_372 = arith.muli %add3A_370, %mul3A_371 : i32
      %dma_start3A_373 = tpu.memref_slice %arg5[%mul3A_372] : memref<25600xi32, #tpu.memory_space<vmem>> -> memref<128xi32, #tpu.memory_space<vmem>>
      %dma_start3A_374 = arith.constant 0 : i32
      %dma_start3A_375 = arith.constant 0 : i32
      %dma_start3A_376 = tpu.memref_slice %arg2[%dma_start3A_374, %dma_start3A_375] : memref<1000000x64xf32, #tpu.memory_space<hbm>> -> memref<1000000x64xf32, #tpu.memory_space<hbm>>
      tpu.enqueue_indirect_dma source(%dma_start3A_376 : memref<1000000x64xf32, #tpu.memory_space<hbm>>) target(%arg9 : memref<128x64xf32, #tpu.memory_space<vmem>>) offsets(%dma_start3A_373 : memref<128xi32, #tpu.memory_space<vmem>>) semaphore(%arg19 : memref<!tpu.dma_semaphore, #tpu.memory_space<semaphore_mem>>)
      %mul3A_377 = arith.constant 10 : i32
      %mul3A_378 = arith.muli %add3A_233, %mul3A_377 : i32
      %add3A_379 = arith.constant 5 : i32
      %add3A_380 = arith.addi %add3A_379, %mul3A_378 : i32
      %add3A_381 = arith.constant 4 : i32
      %add3A_382 = arith.addi %add3A_380, %add3A_381 : i32
      %mul3A_383 = arith.constant 128 : i32
      %mul3A_384 = arith.muli %add3A_382, %mul3A_383 : i32
      %dma_wait3A_385 = tpu.memref_slice %arg5[%mul3A_384] : memref<25600xi32, #tpu.memory_space<vmem>> -> memref<128xi32, #tpu.memory_space<vmem>>
      %dma_wait3A_386 = arith.constant 0 : i32
      %dma_wait3A_387 = arith.constant 0 : i32
      %dma_wait3A_388 = tpu.memref_slice %arg2[%dma_wait3A_386, %dma_wait3A_387] : memref<1000000x64xf32, #tpu.memory_space<hbm>> -> memref<1000000x64xf32, #tpu.memory_space<hbm>>
      tpu.wait_indirect_dma semaphore(%arg25 : memref<!tpu.dma_semaphore, #tpu.memory_space<semaphore_mem>>) src(%dma_wait3A_388 : memref<1000000x64xf32, #tpu.memory_space<hbm>>) dst(%arg15 : memref<128x64xf32, #tpu.memory_space<vmem>>)
      %mul3A_389 = arith.constant 128 : i32
      %mul3A_390 = arith.muli %add3A_382, %mul3A_389 : i32
      %add3A_391 = arith.addi %mul3A_2, %mul3A_390 : i32
      %dma_start3A_392 = arith.constant 0 : i32
      %dma_start3A_393 = tpu.memref_slice %arg4[%add3A_391, %dma_start3A_392] : memref<819200x64xf32, #tpu.memory_space<hbm>> -> memref<128x64xf32, #tpu.memory_space<hbm>>
      %dma_start3A_394 = arith.constant 0 : i32
      %dma_start3A_395 = tpu.memref_slice %arg4[%add3A_391, %dma_start3A_394] : memref<819200x64xf32, #tpu.memory_space<hbm>> -> memref<128x64xf32, #tpu.memory_space<hbm>>
      tpu.enqueue_dma source(%arg15 : memref<128x64xf32, #tpu.memory_space<vmem>>) target(%dma_start3A_395 : memref<128x64xf32, #tpu.memory_space<hbm>>) target_semaphore(%arg35 : memref<!tpu.dma_semaphore, #tpu.memory_space<semaphore_mem>>)
      %sub3A_396 = arith.constant 5 : i32
      %sub3A_397 = arith.subi %add3A_382, %sub3A_396 : i32
      %mul3A_398 = arith.constant 128 : i32
      %mul3A_399 = arith.muli %sub3A_397, %mul3A_398 : i32
      %add3A_400 = arith.addi %mul3A_2, %mul3A_399 : i32
      %dma_wait3A_401 = arith.constant 0 : i32
      %dma_wait3A_402 = tpu.memref_slice %arg4[%add3A_400, %dma_wait3A_401] : memref<819200x64xf32, #tpu.memory_space<hbm>> -> memref<128x64xf32, #tpu.memory_space<hbm>>
      %dma_wait3A_403 = arith.constant 0 : i32
      %dma_wait3A_404 = tpu.memref_slice %arg4[%add3A_400, %dma_wait3A_403] : memref<819200x64xf32, #tpu.memory_space<hbm>> -> memref<128x64xf32, #tpu.memory_space<hbm>>
      tpu.wait_dma2 semaphore(%arg30 : memref<!tpu.dma_semaphore, #tpu.memory_space<semaphore_mem>>) src(%arg10 : memref<128x64xf32, #tpu.memory_space<vmem>>) dst(%dma_wait3A_404 : memref<128x64xf32, #tpu.memory_space<hbm>>)
      %add3A_405 = arith.constant 5 : i32
      %add3A_406 = arith.addi %add3A_382, %add3A_405 : i32
      %mul3A_407 = arith.constant 128 : i32
      %mul3A_408 = arith.muli %add3A_406, %mul3A_407 : i32
      %dma_start3A_409 = tpu.memref_slice %arg5[%mul3A_408] : memref<25600xi32, #tpu.memory_space<vmem>> -> memref<128xi32, #tpu.memory_space<vmem>>
      %dma_start3A_410 = arith.constant 0 : i32
      %dma_start3A_411 = arith.constant 0 : i32
      %dma_start3A_412 = tpu.memref_slice %arg2[%dma_start3A_410, %dma_start3A_411] : memref<1000000x64xf32, #tpu.memory_space<hbm>> -> memref<1000000x64xf32, #tpu.memory_space<hbm>>
      tpu.enqueue_indirect_dma source(%dma_start3A_412 : memref<1000000x64xf32, #tpu.memory_space<hbm>>) target(%arg10 : memref<128x64xf32, #tpu.memory_space<vmem>>) offsets(%dma_start3A_409 : memref<128xi32, #tpu.memory_space<vmem>>) semaphore(%arg20 : memref<!tpu.dma_semaphore, #tpu.memory_space<semaphore_mem>>)
      %mul3A_413 = arith.constant 10 : i32
      %mul3A_414 = arith.muli %add3A_233, %mul3A_413 : i32
      %add3A_415 = arith.constant 5 : i32
      %add3A_416 = arith.addi %add3A_415, %mul3A_414 : i32
      %add3A_417 = arith.constant 5 : i32
      %add3A_418 = arith.addi %add3A_416, %add3A_417 : i32
      %mul3A_419 = arith.constant 128 : i32
      %mul3A_420 = arith.muli %add3A_418, %mul3A_419 : i32
      %dma_wait3A_421 = tpu.memref_slice %arg5[%mul3A_420] : memref<25600xi32, #tpu.memory_space<vmem>> -> memref<128xi32, #tpu.memory_space<vmem>>
      %dma_wait3A_422 = arith.constant 0 : i32
      %dma_wait3A_423 = arith.constant 0 : i32
      %dma_wait3A_424 = tpu.memref_slice %arg2[%dma_wait3A_422, %dma_wait3A_423] : memref<1000000x64xf32, #tpu.memory_space<hbm>> -> memref<1000000x64xf32, #tpu.memory_space<hbm>>
      tpu.wait_indirect_dma semaphore(%arg16 : memref<!tpu.dma_semaphore, #tpu.memory_space<semaphore_mem>>) src(%dma_wait3A_424 : memref<1000000x64xf32, #tpu.memory_space<hbm>>) dst(%arg6 : memref<128x64xf32, #tpu.memory_space<vmem>>)
      %mul3A_425 = arith.constant 128 : i32
      %mul3A_426 = arith.muli %add3A_418, %mul3A_425 : i32
      %add3A_427 = arith.addi %mul3A_2, %mul3A_426 : i32
      %dma_start3A_428 = arith.constant 0 : i32
      %dma_start3A_429 = tpu.memref_slice %arg4[%add3A_427, %dma_start3A_428] : memref<819200x64xf32, #tpu.memory_space<hbm>> -> memref<128x64xf32, #tpu.memory_space<hbm>>
      %dma_start3A_430 = arith.constant 0 : i32
      %dma_start3A_431 = tpu.memref_slice %arg4[%add3A_427, %dma_start3A_430] : memref<819200x64xf32, #tpu.memory_space<hbm>> -> memref<128x64xf32, #tpu.memory_space<hbm>>
      tpu.enqueue_dma source(%arg6 : memref<128x64xf32, #tpu.memory_space<vmem>>) target(%dma_start3A_431 : memref<128x64xf32, #tpu.memory_space<hbm>>) target_semaphore(%arg26 : memref<!tpu.dma_semaphore, #tpu.memory_space<semaphore_mem>>)
      %sub3A_432 = arith.constant 5 : i32
      %sub3A_433 = arith.subi %add3A_418, %sub3A_432 : i32
      %mul3A_434 = arith.constant 128 : i32
      %mul3A_435 = arith.muli %sub3A_433, %mul3A_434 : i32
      %add3A_436 = arith.addi %mul3A_2, %mul3A_435 : i32
      %dma_wait3A_437 = arith.constant 0 : i32
      %dma_wait3A_438 = tpu.memref_slice %arg4[%add3A_436, %dma_wait3A_437] : memref<819200x64xf32, #tpu.memory_space<hbm>> -> memref<128x64xf32, #tpu.memory_space<hbm>>
      %dma_wait3A_439 = arith.constant 0 : i32
      %dma_wait3A_440 = tpu.memref_slice %arg4[%add3A_436, %dma_wait3A_439] : memref<819200x64xf32, #tpu.memory_space<hbm>> -> memref<128x64xf32, #tpu.memory_space<hbm>>
      tpu.wait_dma2 semaphore(%arg31 : memref<!tpu.dma_semaphore, #tpu.memory_space<semaphore_mem>>) src(%arg11 : memref<128x64xf32, #tpu.memory_space<vmem>>) dst(%dma_wait3A_440 : memref<128x64xf32, #tpu.memory_space<hbm>>)
      %add3A_441 = arith.constant 5 : i32
      %add3A_442 = arith.addi %add3A_418, %add3A_441 : i32
      %mul3A_443 = arith.constant 128 : i32
      %mul3A_444 = arith.muli %add3A_442, %mul3A_443 : i32
      %dma_start3A_445 = tpu.memref_slice %arg5[%mul3A_444] : memref<25600xi32, #tpu.memory_space<vmem>> -> memref<128xi32, #tpu.memory_space<vmem>>
      %dma_start3A_446 = arith.constant 0 : i32
      %dma_start3A_447 = arith.constant 0 : i32
      %dma_start3A_448 = tpu.memref_slice %arg2[%dma_start3A_446, %dma_start3A_447] : memref<1000000x64xf32, #tpu.memory_space<hbm>> -> memref<1000000x64xf32, #tpu.memory_space<hbm>>
      tpu.enqueue_indirect_dma source(%dma_start3A_448 : memref<1000000x64xf32, #tpu.memory_space<hbm>>) target(%arg11 : memref<128x64xf32, #tpu.memory_space<vmem>>) offsets(%dma_start3A_445 : memref<128xi32, #tpu.memory_space<vmem>>) semaphore(%arg21 : memref<!tpu.dma_semaphore, #tpu.memory_space<semaphore_mem>>)
      %mul3A_449 = arith.constant 10 : i32
      %mul3A_450 = arith.muli %add3A_233, %mul3A_449 : i32
      %add3A_451 = arith.constant 5 : i32
      %add3A_452 = arith.addi %add3A_451, %mul3A_450 : i32
      %add3A_453 = arith.constant 6 : i32
      %add3A_454 = arith.addi %add3A_452, %add3A_453 : i32
      %mul3A_455 = arith.constant 128 : i32
      %mul3A_456 = arith.muli %add3A_454, %mul3A_455 : i32
      %dma_wait3A_457 = tpu.memref_slice %arg5[%mul3A_456] : memref<25600xi32, #tpu.memory_space<vmem>> -> memref<128xi32, #tpu.memory_space<vmem>>
      %dma_wait3A_458 = arith.constant 0 : i32
      %dma_wait3A_459 = arith.constant 0 : i32
      %dma_wait3A_460 = tpu.memref_slice %arg2[%dma_wait3A_458, %dma_wait3A_459] : memref<1000000x64xf32, #tpu.memory_space<hbm>> -> memref<1000000x64xf32, #tpu.memory_space<hbm>>
      tpu.wait_indirect_dma semaphore(%arg17 : memref<!tpu.dma_semaphore, #tpu.memory_space<semaphore_mem>>) src(%dma_wait3A_460 : memref<1000000x64xf32, #tpu.memory_space<hbm>>) dst(%arg7 : memref<128x64xf32, #tpu.memory_space<vmem>>)
      %mul3A_461 = arith.constant 128 : i32
      %mul3A_462 = arith.muli %add3A_454, %mul3A_461 : i32
      %add3A_463 = arith.addi %mul3A_2, %mul3A_462 : i32
      %dma_start3A_464 = arith.constant 0 : i32
      %dma_start3A_465 = tpu.memref_slice %arg4[%add3A_463, %dma_start3A_464] : memref<819200x64xf32, #tpu.memory_space<hbm>> -> memref<128x64xf32, #tpu.memory_space<hbm>>
      %dma_start3A_466 = arith.constant 0 : i32
      %dma_start3A_467 = tpu.memref_slice %arg4[%add3A_463, %dma_start3A_466] : memref<819200x64xf32, #tpu.memory_space<hbm>> -> memref<128x64xf32, #tpu.memory_space<hbm>>
      tpu.enqueue_dma source(%arg7 : memref<128x64xf32, #tpu.memory_space<vmem>>) target(%dma_start3A_467 : memref<128x64xf32, #tpu.memory_space<hbm>>) target_semaphore(%arg27 : memref<!tpu.dma_semaphore, #tpu.memory_space<semaphore_mem>>)
      %sub3A_468 = arith.constant 5 : i32
      %sub3A_469 = arith.subi %add3A_454, %sub3A_468 : i32
      %mul3A_470 = arith.constant 128 : i32
      %mul3A_471 = arith.muli %sub3A_469, %mul3A_470 : i32
      %add3A_472 = arith.addi %mul3A_2, %mul3A_471 : i32
      %dma_wait3A_473 = arith.constant 0 : i32
      %dma_wait3A_474 = tpu.memref_slice %arg4[%add3A_472, %dma_wait3A_473] : memref<819200x64xf32, #tpu.memory_space<hbm>> -> memref<128x64xf32, #tpu.memory_space<hbm>>
      %dma_wait3A_475 = arith.constant 0 : i32
      %dma_wait3A_476 = tpu.memref_slice %arg4[%add3A_472, %dma_wait3A_475] : memref<819200x64xf32, #tpu.memory_space<hbm>> -> memref<128x64xf32, #tpu.memory_space<hbm>>
      tpu.wait_dma2 semaphore(%arg32 : memref<!tpu.dma_semaphore, #tpu.memory_space<semaphore_mem>>) src(%arg12 : memref<128x64xf32, #tpu.memory_space<vmem>>) dst(%dma_wait3A_476 : memref<128x64xf32, #tpu.memory_space<hbm>>)
      %add3A_477 = arith.constant 5 : i32
      %add3A_478 = arith.addi %add3A_454, %add3A_477 : i32
      %mul3A_479 = arith.constant 128 : i32
      %mul3A_480 = arith.muli %add3A_478, %mul3A_479 : i32
      %dma_start3A_481 = tpu.memref_slice %arg5[%mul3A_480] : memref<25600xi32, #tpu.memory_space<vmem>> -> memref<128xi32, #tpu.memory_space<vmem>>
      %dma_start3A_482 = arith.constant 0 : i32
      %dma_start3A_483 = arith.constant 0 : i32
      %dma_start3A_484 = tpu.memref_slice %arg2[%dma_start3A_482, %dma_start3A_483] : memref<1000000x64xf32, #tpu.memory_space<hbm>> -> memref<1000000x64xf32, #tpu.memory_space<hbm>>
      tpu.enqueue_indirect_dma source(%dma_start3A_484 : memref<1000000x64xf32, #tpu.memory_space<hbm>>) target(%arg12 : memref<128x64xf32, #tpu.memory_space<vmem>>) offsets(%dma_start3A_481 : memref<128xi32, #tpu.memory_space<vmem>>) semaphore(%arg22 : memref<!tpu.dma_semaphore, #tpu.memory_space<semaphore_mem>>)
      %mul3A_485 = arith.constant 10 : i32
      %mul3A_486 = arith.muli %add3A_233, %mul3A_485 : i32
      %add3A_487 = arith.constant 5 : i32
      %add3A_488 = arith.addi %add3A_487, %mul3A_486 : i32
      %add3A_489 = arith.constant 7 : i32
      %add3A_490 = arith.addi %add3A_488, %add3A_489 : i32
      %mul3A_491 = arith.constant 128 : i32
      %mul3A_492 = arith.muli %add3A_490, %mul3A_491 : i32
      %dma_wait3A_493 = tpu.memref_slice %arg5[%mul3A_492] : memref<25600xi32, #tpu.memory_space<vmem>> -> memref<128xi32, #tpu.memory_space<vmem>>
      %dma_wait3A_494 = arith.constant 0 : i32
      %dma_wait3A_495 = arith.constant 0 : i32
      %dma_wait3A_496 = tpu.memref_slice %arg2[%dma_wait3A_494, %dma_wait3A_495] : memref<1000000x64xf32, #tpu.memory_space<hbm>> -> memref<1000000x64xf32, #tpu.memory_space<hbm>>
      tpu.wait_indirect_dma semaphore(%arg18 : memref<!tpu.dma_semaphore, #tpu.memory_space<semaphore_mem>>) src(%dma_wait3A_496 : memref<1000000x64xf32, #tpu.memory_space<hbm>>) dst(%arg8 : memref<128x64xf32, #tpu.memory_space<vmem>>)
      %mul3A_497 = arith.constant 128 : i32
      %mul3A_498 = arith.muli %add3A_490, %mul3A_497 : i32
      %add3A_499 = arith.addi %mul3A_2, %mul3A_498 : i32
      %dma_start3A_500 = arith.constant 0 : i32
      %dma_start3A_501 = tpu.memref_slice %arg4[%add3A_499, %dma_start3A_500] : memref<819200x64xf32, #tpu.memory_space<hbm>> -> memref<128x64xf32, #tpu.memory_space<hbm>>
      %dma_start3A_502 = arith.constant 0 : i32
      %dma_start3A_503 = tpu.memref_slice %arg4[%add3A_499, %dma_start3A_502] : memref<819200x64xf32, #tpu.memory_space<hbm>> -> memref<128x64xf32, #tpu.memory_space<hbm>>
      tpu.enqueue_dma source(%arg8 : memref<128x64xf32, #tpu.memory_space<vmem>>) target(%dma_start3A_503 : memref<128x64xf32, #tpu.memory_space<hbm>>) target_semaphore(%arg28 : memref<!tpu.dma_semaphore, #tpu.memory_space<semaphore_mem>>)
      %sub3A_504 = arith.constant 5 : i32
      %sub3A_505 = arith.subi %add3A_490, %sub3A_504 : i32
      %mul3A_506 = arith.constant 128 : i32
      %mul3A_507 = arith.muli %sub3A_505, %mul3A_506 : i32
      %add3A_508 = arith.addi %mul3A_2, %mul3A_507 : i32
      %dma_wait3A_509 = arith.constant 0 : i32
      %dma_wait3A_510 = tpu.memref_slice %arg4[%add3A_508, %dma_wait3A_509] : memref<819200x64xf32, #tpu.memory_space<hbm>> -> memref<128x64xf32, #tpu.memory_space<hbm>>
      %dma_wait3A_511 = arith.constant 0 : i32
      %dma_wait3A_512 = tpu.memref_slice %arg4[%add3A_508, %dma_wait3A_511] : memref<819200x64xf32, #tpu.memory_space<hbm>> -> memref<128x64xf32, #tpu.memory_space<hbm>>
      tpu.wait_dma2 semaphore(%arg33 : memref<!tpu.dma_semaphore, #tpu.memory_space<semaphore_mem>>) src(%arg13 : memref<128x64xf32, #tpu.memory_space<vmem>>) dst(%dma_wait3A_512 : memref<128x64xf32, #tpu.memory_space<hbm>>)
      %add3A_513 = arith.constant 5 : i32
      %add3A_514 = arith.addi %add3A_490, %add3A_513 : i32
      %mul3A_515 = arith.constant 128 : i32
      %mul3A_516 = arith.muli %add3A_514, %mul3A_515 : i32
      %dma_start3A_517 = tpu.memref_slice %arg5[%mul3A_516] : memref<25600xi32, #tpu.memory_space<vmem>> -> memref<128xi32, #tpu.memory_space<vmem>>
      %dma_start3A_518 = arith.constant 0 : i32
      %dma_start3A_519 = arith.constant 0 : i32
      %dma_start3A_520 = tpu.memref_slice %arg2[%dma_start3A_518, %dma_start3A_519] : memref<1000000x64xf32, #tpu.memory_space<hbm>> -> memref<1000000x64xf32, #tpu.memory_space<hbm>>
      tpu.enqueue_indirect_dma source(%dma_start3A_520 : memref<1000000x64xf32, #tpu.memory_space<hbm>>) target(%arg13 : memref<128x64xf32, #tpu.memory_space<vmem>>) offsets(%dma_start3A_517 : memref<128xi32, #tpu.memory_space<vmem>>) semaphore(%arg23 : memref<!tpu.dma_semaphore, #tpu.memory_space<semaphore_mem>>)
      %mul3A_521 = arith.constant 10 : i32
      %mul3A_522 = arith.muli %add3A_233, %mul3A_521 : i32
      %add3A_523 = arith.constant 5 : i32
      %add3A_524 = arith.addi %add3A_523, %mul3A_522 : i32
      %add3A_525 = arith.constant 8 : i32
      %add3A_526 = arith.addi %add3A_524, %add3A_525 : i32
      %mul3A_527 = arith.constant 128 : i32
      %mul3A_528 = arith.muli %add3A_526, %mul3A_527 : i32
      %dma_wait3A_529 = tpu.memref_slice %arg5[%mul3A_528] : memref<25600xi32, #tpu.memory_space<vmem>> -> memref<128xi32, #tpu.memory_space<vmem>>
      %dma_wait3A_530 = arith.constant 0 : i32
      %dma_wait3A_531 = arith.constant 0 : i32
      %dma_wait3A_532 = tpu.memref_slice %arg2[%dma_wait3A_530, %dma_wait3A_531] : memref<1000000x64xf32, #tpu.memory_space<hbm>> -> memref<1000000x64xf32, #tpu.memory_space<hbm>>
      tpu.wait_indirect_dma semaphore(%arg19 : memref<!tpu.dma_semaphore, #tpu.memory_space<semaphore_mem>>) src(%dma_wait3A_532 : memref<1000000x64xf32, #tpu.memory_space<hbm>>) dst(%arg9 : memref<128x64xf32, #tpu.memory_space<vmem>>)
      %mul3A_533 = arith.constant 128 : i32
      %mul3A_534 = arith.muli %add3A_526, %mul3A_533 : i32
      %add3A_535 = arith.addi %mul3A_2, %mul3A_534 : i32
      %dma_start3A_536 = arith.constant 0 : i32
      %dma_start3A_537 = tpu.memref_slice %arg4[%add3A_535, %dma_start3A_536] : memref<819200x64xf32, #tpu.memory_space<hbm>> -> memref<128x64xf32, #tpu.memory_space<hbm>>
      %dma_start3A_538 = arith.constant 0 : i32
      %dma_start3A_539 = tpu.memref_slice %arg4[%add3A_535, %dma_start3A_538] : memref<819200x64xf32, #tpu.memory_space<hbm>> -> memref<128x64xf32, #tpu.memory_space<hbm>>
      tpu.enqueue_dma source(%arg9 : memref<128x64xf32, #tpu.memory_space<vmem>>) target(%dma_start3A_539 : memref<128x64xf32, #tpu.memory_space<hbm>>) target_semaphore(%arg29 : memref<!tpu.dma_semaphore, #tpu.memory_space<semaphore_mem>>)
      %sub3A_540 = arith.constant 5 : i32
      %sub3A_541 = arith.subi %add3A_526, %sub3A_540 : i32
      %mul3A_542 = arith.constant 128 : i32
      %mul3A_543 = arith.muli %sub3A_541, %mul3A_542 : i32
      %add3A_544 = arith.addi %mul3A_2, %mul3A_543 : i32
      %dma_wait3A_545 = arith.constant 0 : i32
      %dma_wait3A_546 = tpu.memref_slice %arg4[%add3A_544, %dma_wait3A_545] : memref<819200x64xf32, #tpu.memory_space<hbm>> -> memref<128x64xf32, #tpu.memory_space<hbm>>
      %dma_wait3A_547 = arith.constant 0 : i32
      %dma_wait3A_548 = tpu.memref_slice %arg4[%add3A_544, %dma_wait3A_547] : memref<819200x64xf32, #tpu.memory_space<hbm>> -> memref<128x64xf32, #tpu.memory_space<hbm>>
      tpu.wait_dma2 semaphore(%arg34 : memref<!tpu.dma_semaphore, #tpu.memory_space<semaphore_mem>>) src(%arg14 : memref<128x64xf32, #tpu.memory_space<vmem>>) dst(%dma_wait3A_548 : memref<128x64xf32, #tpu.memory_space<hbm>>)
      %add3A_549 = arith.constant 5 : i32
      %add3A_550 = arith.addi %add3A_526, %add3A_549 : i32
      %mul3A_551 = arith.constant 128 : i32
      %mul3A_552 = arith.muli %add3A_550, %mul3A_551 : i32
      %dma_start3A_553 = tpu.memref_slice %arg5[%mul3A_552] : memref<25600xi32, #tpu.memory_space<vmem>> -> memref<128xi32, #tpu.memory_space<vmem>>
      %dma_start3A_554 = arith.constant 0 : i32
      %dma_start3A_555 = arith.constant 0 : i32
      %dma_start3A_556 = tpu.memref_slice %arg2[%dma_start3A_554, %dma_start3A_555] : memref<1000000x64xf32, #tpu.memory_space<hbm>> -> memref<1000000x64xf32, #tpu.memory_space<hbm>>
      tpu.enqueue_indirect_dma source(%dma_start3A_556 : memref<1000000x64xf32, #tpu.memory_space<hbm>>) target(%arg14 : memref<128x64xf32, #tpu.memory_space<vmem>>) offsets(%dma_start3A_553 : memref<128xi32, #tpu.memory_space<vmem>>) semaphore(%arg24 : memref<!tpu.dma_semaphore, #tpu.memory_space<semaphore_mem>>)
      %mul3A_557 = arith.constant 10 : i32
      %mul3A_558 = arith.muli %add3A_233, %mul3A_557 : i32
      %add3A_559 = arith.constant 5 : i32
      %add3A_560 = arith.addi %add3A_559, %mul3A_558 : i32
      %add3A_561 = arith.constant 9 : i32
      %add3A_562 = arith.addi %add3A_560, %add3A_561 : i32
      %mul3A_563 = arith.constant 128 : i32
      %mul3A_564 = arith.muli %add3A_562, %mul3A_563 : i32
      %dma_wait3A_565 = tpu.memref_slice %arg5[%mul3A_564] : memref<25600xi32, #tpu.memory_space<vmem>> -> memref<128xi32, #tpu.memory_space<vmem>>
      %dma_wait3A_566 = arith.constant 0 : i32
      %dma_wait3A_567 = arith.constant 0 : i32
      %dma_wait3A_568 = tpu.memref_slice %arg2[%dma_wait3A_566, %dma_wait3A_567] : memref<1000000x64xf32, #tpu.memory_space<hbm>> -> memref<1000000x64xf32, #tpu.memory_space<hbm>>
      tpu.wait_indirect_dma semaphore(%arg20 : memref<!tpu.dma_semaphore, #tpu.memory_space<semaphore_mem>>) src(%dma_wait3A_568 : memref<1000000x64xf32, #tpu.memory_space<hbm>>) dst(%arg10 : memref<128x64xf32, #tpu.memory_space<vmem>>)
      %mul3A_569 = arith.constant 128 : i32
      %mul3A_570 = arith.muli %add3A_562, %mul3A_569 : i32
      %add3A_571 = arith.addi %mul3A_2, %mul3A_570 : i32
      %dma_start3A_572 = arith.constant 0 : i32
      %dma_start3A_573 = tpu.memref_slice %arg4[%add3A_571, %dma_start3A_572] : memref<819200x64xf32, #tpu.memory_space<hbm>> -> memref<128x64xf32, #tpu.memory_space<hbm>>
      %dma_start3A_574 = arith.constant 0 : i32
      %dma_start3A_575 = tpu.memref_slice %arg4[%add3A_571, %dma_start3A_574] : memref<819200x64xf32, #tpu.memory_space<hbm>> -> memref<128x64xf32, #tpu.memory_space<hbm>>
      tpu.enqueue_dma source(%arg10 : memref<128x64xf32, #tpu.memory_space<vmem>>) target(%dma_start3A_575 : memref<128x64xf32, #tpu.memory_space<hbm>>) target_semaphore(%arg30 : memref<!tpu.dma_semaphore, #tpu.memory_space<semaphore_mem>>)
      %sub3A_576 = arith.constant 5 : i32
      %sub3A_577 = arith.subi %add3A_562, %sub3A_576 : i32
      %mul3A_578 = arith.constant 128 : i32
      %mul3A_579 = arith.muli %sub3A_577, %mul3A_578 : i32
      %add3A_580 = arith.addi %mul3A_2, %mul3A_579 : i32
      %dma_wait3A_581 = arith.constant 0 : i32
      %dma_wait3A_582 = tpu.memref_slice %arg4[%add3A_580, %dma_wait3A_581] : memref<819200x64xf32, #tpu.memory_space<hbm>> -> memref<128x64xf32, #tpu.memory_space<hbm>>
      %dma_wait3A_583 = arith.constant 0 : i32
      %dma_wait3A_584 = tpu.memref_slice %arg4[%add3A_580, %dma_wait3A_583] : memref<819200x64xf32, #tpu.memory_space<hbm>> -> memref<128x64xf32, #tpu.memory_space<hbm>>
      tpu.wait_dma2 semaphore(%arg35 : memref<!tpu.dma_semaphore, #tpu.memory_space<semaphore_mem>>) src(%arg15 : memref<128x64xf32, #tpu.memory_space<vmem>>) dst(%dma_wait3A_584 : memref<128x64xf32, #tpu.memory_space<hbm>>)
      %add3A_585 = arith.constant 5 : i32
      %add3A_586 = arith.addi %add3A_562, %add3A_585 : i32
      %mul3A_587 = arith.constant 128 : i32
      %mul3A_588 = arith.muli %add3A_586, %mul3A_587 : i32
      %dma_start3A_589 = tpu.memref_slice %arg5[%mul3A_588] : memref<25600xi32, #tpu.memory_space<vmem>> -> memref<128xi32, #tpu.memory_space<vmem>>
      %dma_start3A_590 = arith.constant 0 : i32
      %dma_start3A_591 = arith.constant 0 : i32
      %dma_start3A_592 = tpu.memref_slice %arg2[%dma_start3A_590, %dma_start3A_591] : memref<1000000x64xf32, #tpu.memory_space<hbm>> -> memref<1000000x64xf32, #tpu.memory_space<hbm>>
      tpu.enqueue_indirect_dma source(%dma_start3A_592 : memref<1000000x64xf32, #tpu.memory_space<hbm>>) target(%arg15 : memref<128x64xf32, #tpu.memory_space<vmem>>) offsets(%dma_start3A_589 : memref<128xi32, #tpu.memory_space<vmem>>) semaphore(%arg25 : memref<!tpu.dma_semaphore, #tpu.memory_space<semaphore_mem>>)
    }
    %scan3A_113 = arith.constant 19 : i32
    %dma_wait3A_114 = arith.constant 24960 : i32
    %dma_wait3A_115 = tpu.memref_slice %arg5[%dma_wait3A_114] : memref<25600xi32, #tpu.memory_space<vmem>> -> memref<128xi32, #tpu.memory_space<vmem>>
    %dma_wait3A_116 = arith.constant 0 : i32
    %dma_wait3A_117 = arith.constant 0 : i32
    %dma_wait3A_118 = tpu.memref_slice %arg2[%dma_wait3A_116, %dma_wait3A_117] : memref<1000000x64xf32, #tpu.memory_space<hbm>> -> memref<1000000x64xf32, #tpu.memory_space<hbm>>
    tpu.wait_indirect_dma semaphore(%arg21 : memref<!tpu.dma_semaphore, #tpu.memory_space<semaphore_mem>>) src(%dma_wait3A_118 : memref<1000000x64xf32, #tpu.memory_space<hbm>>) dst(%arg11 : memref<128x64xf32, #tpu.memory_space<vmem>>)
    %add3A_119 = arith.constant 24960 : i32
    %add3A_120 = arith.addi %mul3A_2, %add3A_119 : i32
    %dma_start3A_121 = arith.constant 0 : i32
    %dma_start3A_122 = tpu.memref_slice %arg4[%add3A_120, %dma_start3A_121] : memref<819200x64xf32, #tpu.memory_space<hbm>> -> memref<128x64xf32, #tpu.memory_space<hbm>>
    %dma_start3A_123 = arith.constant 0 : i32
    %dma_start3A_124 = tpu.memref_slice %arg4[%add3A_120, %dma_start3A_123] : memref<819200x64xf32, #tpu.memory_space<hbm>> -> memref<128x64xf32, #tpu.memory_space<hbm>>
    tpu.enqueue_dma source(%arg11 : memref<128x64xf32, #tpu.memory_space<vmem>>) target(%dma_start3A_124 : memref<128x64xf32, #tpu.memory_space<hbm>>) target_semaphore(%arg31 : memref<!tpu.dma_semaphore, #tpu.memory_space<semaphore_mem>>)
    %dma_wait3A_125 = arith.constant 25088 : i32
    %dma_wait3A_126 = tpu.memref_slice %arg5[%dma_wait3A_125] : memref<25600xi32, #tpu.memory_space<vmem>> -> memref<128xi32, #tpu.memory_space<vmem>>
    %dma_wait3A_127 = arith.constant 0 : i32
    %dma_wait3A_128 = arith.constant 0 : i32
    %dma_wait3A_129 = tpu.memref_slice %arg2[%dma_wait3A_127, %dma_wait3A_128] : memref<1000000x64xf32, #tpu.memory_space<hbm>> -> memref<1000000x64xf32, #tpu.memory_space<hbm>>
    tpu.wait_indirect_dma semaphore(%arg22 : memref<!tpu.dma_semaphore, #tpu.memory_space<semaphore_mem>>) src(%dma_wait3A_129 : memref<1000000x64xf32, #tpu.memory_space<hbm>>) dst(%arg12 : memref<128x64xf32, #tpu.memory_space<vmem>>)
    %add3A_130 = arith.constant 25088 : i32
    %add3A_131 = arith.addi %mul3A_2, %add3A_130 : i32
    %dma_start3A_132 = arith.constant 0 : i32
    %dma_start3A_133 = tpu.memref_slice %arg4[%add3A_131, %dma_start3A_132] : memref<819200x64xf32, #tpu.memory_space<hbm>> -> memref<128x64xf32, #tpu.memory_space<hbm>>
    %dma_start3A_134 = arith.constant 0 : i32
    %dma_start3A_135 = tpu.memref_slice %arg4[%add3A_131, %dma_start3A_134] : memref<819200x64xf32, #tpu.memory_space<hbm>> -> memref<128x64xf32, #tpu.memory_space<hbm>>
    tpu.enqueue_dma source(%arg12 : memref<128x64xf32, #tpu.memory_space<vmem>>) target(%dma_start3A_135 : memref<128x64xf32, #tpu.memory_space<hbm>>) target_semaphore(%arg32 : memref<!tpu.dma_semaphore, #tpu.memory_space<semaphore_mem>>)
    %dma_wait3A_136 = arith.constant 25216 : i32
    %dma_wait3A_137 = tpu.memref_slice %arg5[%dma_wait3A_136] : memref<25600xi32, #tpu.memory_space<vmem>> -> memref<128xi32, #tpu.memory_space<vmem>>
    %dma_wait3A_138 = arith.constant 0 : i32
    %dma_wait3A_139 = arith.constant 0 : i32
    %dma_wait3A_140 = tpu.memref_slice %arg2[%dma_wait3A_138, %dma_wait3A_139] : memref<1000000x64xf32, #tpu.memory_space<hbm>> -> memref<1000000x64xf32, #tpu.memory_space<hbm>>
    tpu.wait_indirect_dma semaphore(%arg23 : memref<!tpu.dma_semaphore, #tpu.memory_space<semaphore_mem>>) src(%dma_wait3A_140 : memref<1000000x64xf32, #tpu.memory_space<hbm>>) dst(%arg13 : memref<128x64xf32, #tpu.memory_space<vmem>>)
    %add3A_141 = arith.constant 25216 : i32
    %add3A_142 = arith.addi %mul3A_2, %add3A_141 : i32
    %dma_start3A_143 = arith.constant 0 : i32
    %dma_start3A_144 = tpu.memref_slice %arg4[%add3A_142, %dma_start3A_143] : memref<819200x64xf32, #tpu.memory_space<hbm>> -> memref<128x64xf32, #tpu.memory_space<hbm>>
    %dma_start3A_145 = arith.constant 0 : i32
    %dma_start3A_146 = tpu.memref_slice %arg4[%add3A_142, %dma_start3A_145] : memref<819200x64xf32, #tpu.memory_space<hbm>> -> memref<128x64xf32, #tpu.memory_space<hbm>>
    tpu.enqueue_dma source(%arg13 : memref<128x64xf32, #tpu.memory_space<vmem>>) target(%dma_start3A_146 : memref<128x64xf32, #tpu.memory_space<hbm>>) target_semaphore(%arg33 : memref<!tpu.dma_semaphore, #tpu.memory_space<semaphore_mem>>)
    %dma_wait3A_147 = arith.constant 25344 : i32
    %dma_wait3A_148 = tpu.memref_slice %arg5[%dma_wait3A_147] : memref<25600xi32, #tpu.memory_space<vmem>> -> memref<128xi32, #tpu.memory_space<vmem>>
    %dma_wait3A_149 = arith.constant 0 : i32
    %dma_wait3A_150 = arith.constant 0 : i32
    %dma_wait3A_151 = tpu.memref_slice %arg2[%dma_wait3A_149, %dma_wait3A_150] : memref<1000000x64xf32, #tpu.memory_space<hbm>> -> memref<1000000x64xf32, #tpu.memory_space<hbm>>
    tpu.wait_indirect_dma semaphore(%arg24 : memref<!tpu.dma_semaphore, #tpu.memory_space<semaphore_mem>>) src(%dma_wait3A_151 : memref<1000000x64xf32, #tpu.memory_space<hbm>>) dst(%arg14 : memref<128x64xf32, #tpu.memory_space<vmem>>)
    %add3A_152 = arith.constant 25344 : i32
    %add3A_153 = arith.addi %mul3A_2, %add3A_152 : i32
    %dma_start3A_154 = arith.constant 0 : i32
    %dma_start3A_155 = tpu.memref_slice %arg4[%add3A_153, %dma_start3A_154] : memref<819200x64xf32, #tpu.memory_space<hbm>> -> memref<128x64xf32, #tpu.memory_space<hbm>>
    %dma_start3A_156 = arith.constant 0 : i32
    %dma_start3A_157 = tpu.memref_slice %arg4[%add3A_153, %dma_start3A_156] : memref<819200x64xf32, #tpu.memory_space<hbm>> -> memref<128x64xf32, #tpu.memory_space<hbm>>
    tpu.enqueue_dma source(%arg14 : memref<128x64xf32, #tpu.memory_space<vmem>>) target(%dma_start3A_157 : memref<128x64xf32, #tpu.memory_space<hbm>>) target_semaphore(%arg34 : memref<!tpu.dma_semaphore, #tpu.memory_space<semaphore_mem>>)
    %dma_wait3A_158 = arith.constant 25472 : i32
    %dma_wait3A_159 = tpu.memref_slice %arg5[%dma_wait3A_158] : memref<25600xi32, #tpu.memory_space<vmem>> -> memref<128xi32, #tpu.memory_space<vmem>>
    %dma_wait3A_160 = arith.constant 0 : i32
    %dma_wait3A_161 = arith.constant 0 : i32
    %dma_wait3A_162 = tpu.memref_slice %arg2[%dma_wait3A_160, %dma_wait3A_161] : memref<1000000x64xf32, #tpu.memory_space<hbm>> -> memref<1000000x64xf32, #tpu.memory_space<hbm>>
    tpu.wait_indirect_dma semaphore(%arg25 : memref<!tpu.dma_semaphore, #tpu.memory_space<semaphore_mem>>) src(%dma_wait3A_162 : memref<1000000x64xf32, #tpu.memory_space<hbm>>) dst(%arg15 : memref<128x64xf32, #tpu.memory_space<vmem>>)
    %add3A_163 = arith.constant 25472 : i32
    %add3A_164 = arith.addi %mul3A_2, %add3A_163 : i32
    %dma_start3A_165 = arith.constant 0 : i32
    %dma_start3A_166 = tpu.memref_slice %arg4[%add3A_164, %dma_start3A_165] : memref<819200x64xf32, #tpu.memory_space<hbm>> -> memref<128x64xf32, #tpu.memory_space<hbm>>
    %dma_start3A_167 = arith.constant 0 : i32
    %dma_start3A_168 = tpu.memref_slice %arg4[%add3A_164, %dma_start3A_167] : memref<819200x64xf32, #tpu.memory_space<hbm>> -> memref<128x64xf32, #tpu.memory_space<hbm>>
    tpu.enqueue_dma source(%arg15 : memref<128x64xf32, #tpu.memory_space<vmem>>) target(%dma_start3A_168 : memref<128x64xf32, #tpu.memory_space<hbm>>) target_semaphore(%arg35 : memref<!tpu.dma_semaphore, #tpu.memory_space<semaphore_mem>>)
    %add3A_169 = arith.constant 24320 : i32
    %add3A_170 = arith.addi %mul3A_2, %add3A_169 : i32
    %dma_wait3A_171 = arith.constant 0 : i32
    %dma_wait3A_172 = tpu.memref_slice %arg4[%add3A_170, %dma_wait3A_171] : memref<819200x64xf32, #tpu.memory_space<hbm>> -> memref<128x64xf32, #tpu.memory_space<hbm>>
    %dma_wait3A_173 = arith.constant 0 : i32
    %dma_wait3A_174 = tpu.memref_slice %arg4[%add3A_170, %dma_wait3A_173] : memref<819200x64xf32, #tpu.memory_space<hbm>> -> memref<128x64xf32, #tpu.memory_space<hbm>>
    tpu.wait_dma2 semaphore(%arg26 : memref<!tpu.dma_semaphore, #tpu.memory_space<semaphore_mem>>) src(%arg6 : memref<128x64xf32, #tpu.memory_space<vmem>>) dst(%dma_wait3A_174 : memref<128x64xf32, #tpu.memory_space<hbm>>)
    %add3A_175 = arith.constant 24448 : i32
    %add3A_176 = arith.addi %mul3A_2, %add3A_175 : i32
    %dma_wait3A_177 = arith.constant 0 : i32
    %dma_wait3A_178 = tpu.memref_slice %arg4[%add3A_176, %dma_wait3A_177] : memref<819200x64xf32, #tpu.memory_space<hbm>> -> memref<128x64xf32, #tpu.memory_space<hbm>>
    %dma_wait3A_179 = arith.constant 0 : i32
    %dma_wait3A_180 = tpu.memref_slice %arg4[%add3A_176, %dma_wait3A_179] : memref<819200x64xf32, #tpu.memory_space<hbm>> -> memref<128x64xf32, #tpu.memory_space<hbm>>
    tpu.wait_dma2 semaphore(%arg27 : memref<!tpu.dma_semaphore, #tpu.memory_space<semaphore_mem>>) src(%arg7 : memref<128x64xf32, #tpu.memory_space<vmem>>) dst(%dma_wait3A_180 : memref<128x64xf32, #tpu.memory_space<hbm>>)
    %add3A_181 = arith.constant 24576 : i32
    %add3A_182 = arith.addi %mul3A_2, %add3A_181 : i32
    %dma_wait3A_183 = arith.constant 0 : i32
    %dma_wait3A_184 = tpu.memref_slice %arg4[%add3A_182, %dma_wait3A_183] : memref<819200x64xf32, #tpu.memory_space<hbm>> -> memref<128x64xf32, #tpu.memory_space<hbm>>
    %dma_wait3A_185 = arith.constant 0 : i32
    %dma_wait3A_186 = tpu.memref_slice %arg4[%add3A_182, %dma_wait3A_185] : memref<819200x64xf32, #tpu.memory_space<hbm>> -> memref<128x64xf32, #tpu.memory_space<hbm>>
    tpu.wait_dma2 semaphore(%arg28 : memref<!tpu.dma_semaphore, #tpu.memory_space<semaphore_mem>>) src(%arg8 : memref<128x64xf32, #tpu.memory_space<vmem>>) dst(%dma_wait3A_186 : memref<128x64xf32, #tpu.memory_space<hbm>>)
    %add3A_187 = arith.constant 24704 : i32
    %add3A_188 = arith.addi %mul3A_2, %add3A_187 : i32
    %dma_wait3A_189 = arith.constant 0 : i32
    %dma_wait3A_190 = tpu.memref_slice %arg4[%add3A_188, %dma_wait3A_189] : memref<819200x64xf32, #tpu.memory_space<hbm>> -> memref<128x64xf32, #tpu.memory_space<hbm>>
    %dma_wait3A_191 = arith.constant 0 : i32
    %dma_wait3A_192 = tpu.memref_slice %arg4[%add3A_188, %dma_wait3A_191] : memref<819200x64xf32, #tpu.memory_space<hbm>> -> memref<128x64xf32, #tpu.memory_space<hbm>>
    tpu.wait_dma2 semaphore(%arg29 : memref<!tpu.dma_semaphore, #tpu.memory_space<semaphore_mem>>) src(%arg9 : memref<128x64xf32, #tpu.memory_space<vmem>>) dst(%dma_wait3A_192 : memref<128x64xf32, #tpu.memory_space<hbm>>)
    %add3A_193 = arith.constant 24832 : i32
    %add3A_194 = arith.addi %mul3A_2, %add3A_193 : i32
    %dma_wait3A_195 = arith.constant 0 : i32
    %dma_wait3A_196 = tpu.memref_slice %arg4[%add3A_194, %dma_wait3A_195] : memref<819200x64xf32, #tpu.memory_space<hbm>> -> memref<128x64xf32, #tpu.memory_space<hbm>>
    %dma_wait3A_197 = arith.constant 0 : i32
    %dma_wait3A_198 = tpu.memref_slice %arg4[%add3A_194, %dma_wait3A_197] : memref<819200x64xf32, #tpu.memory_space<hbm>> -> memref<128x64xf32, #tpu.memory_space<hbm>>
    tpu.wait_dma2 semaphore(%arg30 : memref<!tpu.dma_semaphore, #tpu.memory_space<semaphore_mem>>) src(%arg10 : memref<128x64xf32, #tpu.memory_space<vmem>>) dst(%dma_wait3A_198 : memref<128x64xf32, #tpu.memory_space<hbm>>)
    %add3A_199 = arith.constant 24960 : i32
    %add3A_200 = arith.addi %mul3A_2, %add3A_199 : i32
    %dma_wait3A_201 = arith.constant 0 : i32
    %dma_wait3A_202 = tpu.memref_slice %arg4[%add3A_200, %dma_wait3A_201] : memref<819200x64xf32, #tpu.memory_space<hbm>> -> memref<128x64xf32, #tpu.memory_space<hbm>>
    %dma_wait3A_203 = arith.constant 0 : i32
    %dma_wait3A_204 = tpu.memref_slice %arg4[%add3A_200, %dma_wait3A_203] : memref<819200x64xf32, #tpu.memory_space<hbm>> -> memref<128x64xf32, #tpu.memory_space<hbm>>
    tpu.wait_dma2 semaphore(%arg31 : memref<!tpu.dma_semaphore, #tpu.memory_space<semaphore_mem>>) src(%arg11 : memref<128x64xf32, #tpu.memory_space<vmem>>) dst(%dma_wait3A_204 : memref<128x64xf32, #tpu.memory_space<hbm>>)
    %add3A_205 = arith.constant 25088 : i32
    %add3A_206 = arith.addi %mul3A_2, %add3A_205 : i32
    %dma_wait3A_207 = arith.constant 0 : i32
    %dma_wait3A_208 = tpu.memref_slice %arg4[%add3A_206, %dma_wait3A_207] : memref<819200x64xf32, #tpu.memory_space<hbm>> -> memref<128x64xf32, #tpu.memory_space<hbm>>
    %dma_wait3A_209 = arith.constant 0 : i32
    %dma_wait3A_210 = tpu.memref_slice %arg4[%add3A_206, %dma_wait3A_209] : memref<819200x64xf32, #tpu.memory_space<hbm>> -> memref<128x64xf32, #tpu.memory_space<hbm>>
    tpu.wait_dma2 semaphore(%arg32 : memref<!tpu.dma_semaphore, #tpu.memory_space<semaphore_mem>>) src(%arg12 : memref<128x64xf32, #tpu.memory_space<vmem>>) dst(%dma_wait3A_210 : memref<128x64xf32, #tpu.memory_space<hbm>>)
    %add3A_211 = arith.constant 25216 : i32
    %add3A_212 = arith.addi %mul3A_2, %add3A_211 : i32
    %dma_wait3A_213 = arith.constant 0 : i32
    %dma_wait3A_214 = tpu.memref_slice %arg4[%add3A_212, %dma_wait3A_213] : memref<819200x64xf32, #tpu.memory_space<hbm>> -> memref<128x64xf32, #tpu.memory_space<hbm>>
    %dma_wait3A_215 = arith.constant 0 : i32
    %dma_wait3A_216 = tpu.memref_slice %arg4[%add3A_212, %dma_wait3A_215] : memref<819200x64xf32, #tpu.memory_space<hbm>> -> memref<128x64xf32, #tpu.memory_space<hbm>>
    tpu.wait_dma2 semaphore(%arg33 : memref<!tpu.dma_semaphore, #tpu.memory_space<semaphore_mem>>) src(%arg13 : memref<128x64xf32, #tpu.memory_space<vmem>>) dst(%dma_wait3A_216 : memref<128x64xf32, #tpu.memory_space<hbm>>)
    %add3A_217 = arith.constant 25344 : i32
    %add3A_218 = arith.addi %mul3A_2, %add3A_217 : i32
    %dma_wait3A_219 = arith.constant 0 : i32
    %dma_wait3A_220 = tpu.memref_slice %arg4[%add3A_218, %dma_wait3A_219] : memref<819200x64xf32, #tpu.memory_space<hbm>> -> memref<128x64xf32, #tpu.memory_space<hbm>>
    %dma_wait3A_221 = arith.constant 0 : i32
    %dma_wait3A_222 = tpu.memref_slice %arg4[%add3A_218, %dma_wait3A_221] : memref<819200x64xf32, #tpu.memory_space<hbm>> -> memref<128x64xf32, #tpu.memory_space<hbm>>
    tpu.wait_dma2 semaphore(%arg34 : memref<!tpu.dma_semaphore, #tpu.memory_space<semaphore_mem>>) src(%arg14 : memref<128x64xf32, #tpu.memory_space<vmem>>) dst(%dma_wait3A_222 : memref<128x64xf32, #tpu.memory_space<hbm>>)
    %add3A_223 = arith.constant 25472 : i32
    %add3A_224 = arith.addi %mul3A_2, %add3A_223 : i32
    %dma_wait3A_225 = arith.constant 0 : i32
    %dma_wait3A_226 = tpu.memref_slice %arg4[%add3A_224, %dma_wait3A_225] : memref<819200x64xf32, #tpu.memory_space<hbm>> -> memref<128x64xf32, #tpu.memory_space<hbm>>
    %dma_wait3A_227 = arith.constant 0 : i32
    %dma_wait3A_228 = tpu.memref_slice %arg4[%add3A_224, %dma_wait3A_227] : memref<819200x64xf32, #tpu.memory_space<hbm>> -> memref<128x64xf32, #tpu.memory_space<hbm>>
    tpu.wait_dma2 semaphore(%arg35 : memref<!tpu.dma_semaphore, #tpu.memory_space<semaphore_mem>>) src(%arg15 : memref<128x64xf32, #tpu.memory_space<vmem>>) dst(%dma_wait3A_228 : memref<128x64xf32, #tpu.memory_space<hbm>>)
    return
  }
}

</mosaic_0001>

<sc_bundles>
// kernel: kernel.3.cloned.1.call-start
scs
__scs_entry_jumppad:
0x0: {  	(pc) =	sbr.rel $0x88, $3  }
0x1: {  	(tag) =	ssettag $0x0;
	lr =	simm.s32 $0x1  }
0x2: {  	[smem:$0x3F9F] =	sst lr;
	_ =	strace $0xD0000000  }
0x3: {  	_ = 	snop  }
0x4: {  	_ = 	snop  }
0x5: {  	_ = 	snop  }
0x6: {  	_ = 	snop  }
0x7: {  	_ = 	snop  }
__scs_overlays_trampoline_lowered:
0x8: {  	[smem:$0x3FAE] =	sst s0  }
0x9: {  	[smem:$0x3FAF] =	sst s1  }
0xa: {  	[smem:$0x3FB0] =	sst s2  }
0xb: {  	[smem:$0x3FB1] =	sst s3  }
0xc: {  	[smem:$0x3FB2] =	sst s4  }
0xd: {  	[smem:$0x3FB3] =	sst s5  }
0xe: {  	[smem:$0x3FB4] =	sst s6  }
0xf: {  	[smem:$0x3FB5] =	sst s7  }
0x10: {  	[smem:$0x3FB6] =	sst s8  }
0x11: {  	[smem:$0x3FB7] =	sst s9;
	s0 =	simm.s32 @!p0 $0x0  }
0x12: {  	s1 =	sld [smem:$0x3F9D];
	s0 =	simm.s32 @p0 $0x1  }
0x13: {  	[smem:$0x3FB8] =	sst s0;
	s0 =	simm.s32 @!p1 $0x0  }
0x14: {  	s2 =	sld [smem:$0x3F9C];
	s0 =	simm.s32 @p1 $0x1  }
0x15: {  	[smem:$0x3FB9] =	sst s0;
	s0 =	simm.s32 @!p2 $0x0  }
0x16: {  	s3 =	sld [smem:$0x3FDB];
	s0 =	simm.s32 @p2 $0x1  }
0x17: {  	s4 =	simm.s32 $0x1BF5;
	[smem:$0x3FBB] =	sst s0  }
0x18: {  	s0 =	sld [smem:$0x3F9E];
	_ =	swait.ge [sflag:s4], $0x0  }
0x19: {  	s7 =	sld [smem:$0x3F9F]  }
0x1a: {  	s8 =	sadd.s32 $0xFFFFE003, lr  }
0x1b: {  	s9 =	sadd.s32 $0xFFFFFEF7, lr;
	s5 =	simm.s32 $0xFFFFFFFF;
	p2 =	slt.u32 s8, $0xFFFFF086  }
0x1c: {  	p1 =	slt.u32 s9, $0xF7A;
	s5 =	simm.s32 @!p2 $0x0  }
0x1d: {  	s5 =	simm.s32 @p1 $0x1;
	p0 =	seq.s32 s7, s2  }
0x1e: {  	s7 =	smul.u32 @!p0 $0xF7A, s2;
	p2 =	seq.s32 @!p0 s5, $0x0  }
0x1f: {  	s9 =	smul.u32 $0xF7A, s1;
	s8 =	simm.s32 @!p0 $0x1BF5;
	p2 =	por !p2, p0  }
0x20: {  	[sflag:s8] =	ssyncset.s32 @!p0 $0xFFFFF086;
	s6 =	sadd.s32 @!p0 s3, s7;
	s7 =	simm.s32 @!p0 $0x108  }
0x21: {  	s3 =	sadd.s32 s3, s9;
	s6 =	sadd.s32 @!p0 $0x88, s6;
	s7 =	simm.s32 @p2 $0x1082  }
0x22: {  	[simem:s7], [sflag:s8] =	dma.local @!p0 [hbm:s6], $0xF7A  }
0x23: {  	s9 =	sor.u32 $0xD0000000, s2;
	s6 =	simm.s32 $0x108;
	_ =	swait.ge @!p0 [sflag:s8], $0x0  }
0x24: {  	s3 =	sadd.s32 $0x88, s3;
	s6 =	simm.s32 @!p1 $0x1082;
	[sflag:s4] =	ssyncset.s32 $0xFFFFF086  }
0x25: {  	[simem:s6], [sflag:s4] =	dma.local [hbm:s3], $0xF7A  }
0x26: {  	[smem:$0x3F9F] =	sst s1;
	(tag) =	ssettag s2;
	_ =	strace s9  }
0x27: {  	s1 =	sld [smem:$0x3FAF]  }
0x28: {  	s2 =	sld [smem:$0x3FB0]  }
0x29: {  	s4 =	sld [smem:$0x3FB2]  }
0x2a: {  	p0 =	seq.s32 s5, $0x0;
	s5 =	sld [smem:$0x3FB3]  }
0x2b: {  	s6 =	sld [smem:$0x3FB4]  }
0x2c: {  	s7 =	sld [smem:$0x3FB5]  }
0x2d: {  	s3 =	simm.s32 $0x108;
	s8 =	sld [smem:$0x3FB6]  }
0x2e: {  	s3 =	simm.s32 @!p0 $0x1082;
	s9 =	sld [smem:$0x3FB7]  }
0x2f: {  	lr =	sadd.s32 s0, s3;
	s0 =	sld [smem:$0x3FAE]  }
0x30: {  	s3 =	sld [smem:$0x3FB1]  }
0x31: {  	[smem:$0x3FBA] =	sst s10  }
0x32: {  	s10 =	sld [smem:$0x3FB8];
	_ =	sdelay $0x3  }
0x33: {  	p0 =	seq.s32 s10, $0x1;
	s10 =	sld [smem:$0x3FBA];
	_ =	sdelay $0x3  }
0x34: {  	[smem:$0x3FBA] =	sst s10  }
0x35: {  	s10 =	sld [smem:$0x3FB9];
	_ =	sdelay $0x3  }
0x36: {  	p1 =	seq.s32 s10, $0x1;
	s10 =	sld [smem:$0x3FBA];
	_ =	sdelay $0x3  }
0x37: {  	[smem:$0x3FBA] =	sst s10  }
0x38: {  	s10 =	sld [smem:$0x3FBB]  }
0x39: {  	_ = 	snop;
	(pc) =	sbr.ind lr, $3  }
0x3a: {  	_ = 	snop  }
0x3b: {  	_ = 	snop  }
0x3c: {  	p2 =	seq.s32 s10, $0x1;
	s10 =	sld [smem:$0x3FBA]  }
0x3d: {  	_ =	shalt  }
0x3e: {  	_ =	shalt  }
0x3f: {  	_ =	shalt  }
0x40: {  	_ =	shalt  }
0x41: {  	_ =	shalt  }
0x42: {  	_ =	shalt  }
0x43: {  	_ =	shalt  }
0x44: {  	_ =	shalt  }
0x45: {  	_ =	shalt  }
0x46: {  	_ =	shalt  }
0x47: {  	_ =	shalt  }
0x48: {  	_ =	shalt  }
0x49: {  	_ =	shalt  }
0x4a: {  	_ =	shalt  }
0x4b: {  	_ =	shalt  }
0x4c: {  	_ =	shalt  }
0x4d: {  	_ =	shalt  }
0x4e: {  	_ =	shalt  }
0x4f: {  	_ =	shalt  }
0x50: {  	_ =	shalt  }
0x51: {  	_ =	shalt  }
0x52: {  	_ =	shalt  }
0x53: {  	_ =	shalt  }
0x54: {  	_ =	shalt  }
0x55: {  	_ =	shalt  }
0x56: {  	_ =	shalt  }
0x57: {  	_ =	shalt  }
0x58: {  	_ =	shalt  }
0x59: {  	_ =	shalt  }
0x5a: {  	_ =	shalt  }
0x5b: {  	_ =	shalt  }
0x5c: {  	_ =	shalt  }
0x5d: {  	_ =	shalt  }
0x5e: {  	_ =	shalt  }
0x5f: {  	_ =	shalt  }
0x60: {  	_ =	shalt  }
0x61: {  	_ =	shalt  }
0x62: {  	_ =	shalt  }
0x63: {  	_ =	shalt  }
0x64: {  	_ =	shalt  }
0x65: {  	_ =	shalt  }
0x66: {  	_ =	shalt  }
0x67: {  	_ =	shalt  }
0x68: {  	_ =	shalt  }
0x69: {  	_ =	shalt  }
0x6a: {  	_ =	shalt  }
0x6b: {  	_ =	shalt  }
0x6c: {  	_ =	shalt  }
0x6d: {  	_ =	shalt  }
0x6e: {  	_ =	shalt  }
0x6f: {  	_ =	shalt  }
0x70: {  	_ =	shalt  }
0x71: {  	_ =	shalt  }
0x72: {  	_ =	shalt  }
0x73: {  	_ =	shalt  }
0x74: {  	_ =	shalt  }
0x75: {  	_ =	shalt  }
0x76: {  	_ =	shalt  }
0x77: {  	_ =	shalt  }
0x78: {  	_ =	shalt  }
0x79: {  	_ =	shalt  }
0x7a: {  	_ =	shalt  }
0x7b: {  	_ =	shalt  }
0x7c: {  	_ =	shalt  }
0x7d: {  	_ =	shalt  }
0x7e: {  	_ =	shalt  }
0x7f: {  	_ =	shalt  }
0x80: {  	_ =	shalt  }
0x81: {  	_ =	shalt  }
0x82: {  	_ =	shalt  }
0x83: {  	_ =	shalt  }
0x84: {  	_ =	shalt  }
0x85: {  	_ =	shalt  }
0x86: {  	_ =	shalt  }
0x87: {  	_ =	shalt  }
.Lfunc_end0:
.L_simem_size_0:
called_computation.1_lowered:
.L_overlay_start_0:
0x88: {  	s2 =	sld [smem:$0x3FD9]  }
0x89: {  	s3 =	sld [smem:$0x3FFE];
	_ =	sdelay $0x1  }
0x8a: {  	s1 =	srdreg.scid  }
0x8b: {  	s0 =	sand.u32 $0x1, s1  }
0x8c: {  	s17 =	sshll.u32 s0, $0xA;
	s2 =	sadd.s32 s3, s2  }
0x8d: {  	s2 =	sadd.s32 s2, s17  }
0x8e: {  	[smem:$0x3FC6] =	sst s2  }
0x8f: {  	_ = 	snop  }
0x90: {  	s2 =	sld [smem:$0x3FD0];
	(tm) =	ssettm $0x1  }
0x91: {  	s18 =	sld [smem:$0x3FFB];
	_ =	sdelay $0x3  }
0x92: {  	_ =	strace s18  }
0x93: {  	s3 =	sld [smem:$0x3FFC];
	_ =	sdelay $0x3  }
0x94: {  	_ =	strace s3  }
0x95: {  	s3 =	sld [smem:$0x3FFD];
	_ =	sdelay $0x3  }
0x96: {  	_ =	strace s3  }
0x97: {  	_ =	strace $0x8FFFFFFF  }
0x98: {  	s19 =	sld [smem:$0x3FDB];
	_ =	sdelay $0x1  }
0x99: {  	s4 =	simm.s32 $_scs_section_size  }
0x9a: {  	s5 =	simm.s32 $_size__tile_overlayer_lowered;
	s6 =	simm.s32 $_tile_overlayer_lowered  }
0x9b: {  	s22 =	simm.s32 $0x1BFF;
	s21 =	sshll.u32 s6, $0x1;
	s3 =	sadd.s32 s4, s19  }
0x9c: {  	s7 =	simm.s32 $0x0;
	s20 =	sshll.u32 s5, $0x1;
	s5 =	sadd.s32 s21, s3  }
0x9d: {  	[timem:s7], [sflag:s22] =	dma.local [hbm:s5], s20  }
0x9e: {  	_ =	swait.ge [sflag:s22], s20  }
0x9f: {  	s4 =	ssub.s32 $0x0, s20;
	[sflag:s22] =	ssyncset.done $0x0  }
0xa0: {  	[sflag:s22] =	ssyncadd.s32 s4;
	_ =	sdelay $0x1  }
0xa1: {  	s23 =	simm.s32 $0x1B8B  }
0xa2: {  	_ =	swait.ge [sflag:s23], $0x1  }
0xa3: {  	[sflag:s23] =	ssyncset.done $0x0  }
0xa4: {  	s25 =	simm.s32 $0x1B8E;
	s24 =	sld [smem:$0x3FFE];
	[sflag:s23] =	ssyncadd.s32 $0xFFFFFFFF  }
0xa5: {  	s26 =	simm.s32 $execute0_lowered;
	[smem:$0x3FD2] =	sst s25  }
0xa6: {  	s5 =	sshll.u32 s26, $0x1;
	_ =	strace $0x80000046;
	[dreg:$0x1] =	wrdreg $0xFFFFFFFF  }
0xa7: {  	s28 =	simm.s32 $_size_execute0_lowered;
	s3 =	sadd.s32 s3, s5;
	[dreg:$0x0] =	wrdreg $0x0  }
0xa8: {  	s5 =	sshll.u32 s28, $0x1;
	[dreg:$0x2] =	wrdreg s3  }
0xa9: {  	[dreg:$0x3] =	wrdreg s5  }
0xaa: {  	[dreg:$0x4] =	wrdreg $0xC0  }
0xab: {  	_ =	task [dreg:s7], $0x5FFFF  }
0xac: {  	[dreg:$0x1] =	wrdreg $0xFFFFFFFF  }
0xad: {  	[dreg:$0x0] =	wrdreg $0x60  }
0xae: {  	[dreg:$0x2] =	wrdreg s24  }
0xaf: {  	[dreg:$0x3] =	wrdreg s2  }
0xb0: {  	[dreg:$0x4] =	wrdreg $0x9  }
0xb1: {  	_ =	task.clear_ibuf [dreg:s7], $0x5FFFF;
	_ =	strace $0x90000046  }
0xb2: {  	s29 =	simm.s32 $0x9;
	_ =	strace $0x80000048  }
0xb3: {  	_ =	swait.ge [sflag:s29], $0x1  }
0xb4: {  	[sflag:s29] =	ssyncadd.s32 $0xFFFFFFFF  }
0xb5: {  	_ =	strace $0x90000048  }
0xb6: {  	_ =	sfence  }
0xb7: {  	s30 =	sld [smem:$0x0];
	_ =	sdelay $0x2  }
0xb8: {  	s31 =	sshll.u32 s1, $0xD;
	s1 =	sshrl.u32 s1, $0x2  }
0xb9: {  	s3 =	sand.u32 $0x4000, s31;
	s1 =	sadd.s32 s1, s30  }
0xba: {  	s0 =	sor.u32 s3, s0;
	s1 =	sshll.u32 s1, $0x11  }
0xbb: {  	s0 =	sor.u32 s1, s0  }
0xbc: {  	s0 =	sadd.s32 $0x8F2B, s0  }
0xbd: {  	[sflag:s0] =	ssyncadd.remote.s32 $0x1  }
0xbe: {  	_ =	sfence.sel $0xFFFF  }
0xbf: {  	[dreg:$0x0] =	wrdreg $0xFFFFFFFF;
	(pc) =	sbr.abs _section_cstart, $3  }
0xc0: {  	[dreg:$0x1] =	wrdreg $0xFFFFFFFF  }
0xc1: {  	_ =	task.clear_ibuf [dreg:s7], $0x2FFFF;
	_ =	strace $0x9FFFFFFF  }
0xc2: {  	(tm) =	ssettm $0x7FFFFFFF  }
0xc3: {  	_ =	shalt  }
tec
execute0_lowered:
.L_overlay_start_1:
0x0: {  	(tag) =	ssettag $0x1  }
0x1: {  	s0 =	srdreg.scid;
	s7 =	stileid.u32  }
0x2: {  	s1 =	rddreg [dreg:$0x0];
	s0 =	sand.u32 $0x1, s0;
	s2 =	sshll.u32 s7, $0x1  }
0x3: {  	s10 =	rddreg [dreg:$0x1];
	s2 =	sor.u32 s0, s2  }
0x4: {  	s3 =	simm.s32 $0x0;
	s6 =	ssub.s32 $0x2, s0;
	s5 =	smul.u32 $0x32000, s2  }
0x5: {  	s28 =	simm.s32 $0x1;
	[smem:$0x7FF] =	sst s3;
	s9 =	sshrl.u32 s6, $0x1  }
0x6: {  	s7 =	smul.u32 $0xC800, s7;
	s6 =	ssub.s32 s6, s9;
	s5 =	sadd.s32 s10, s5  }
0x7: {  	_ =	strace $0x80000047;
	s30 =	smax.u32 s6, $0x1;
	[dreg:$0xe] =	wrdreg s5  }
0x8: {  	s0 =	smul.u32 $0x6400, s0;
	s11 =	sadd.s32 $0x400, s5;
	[dreg:$0x18] =	wrdreg s30  }
0x9: {  	s31 =	simm.s32 $0x1;
	s12 =	sadd.s32 $0x800, s5;
	[dreg:$0xf] =	wrdreg s11  }
0xa: {  	s0 =	sadd.s32 s0, s7;
	s13 =	sadd.s32 $0xC00, s5;
	[dreg:$0x10] =	wrdreg s12  }
0xb: {  	s0 =	sshll.u32 s0, $0x3;
	s5 =	sadd.s32 $0x1000, s5;
	[dreg:$0x11] =	wrdreg s13  }
0xc: {  	s4 =	smul.u32 $0x6400, s2;
	s15 =	sadd.s32 $0x2400, s0;
	[dreg:$0x12] =	wrdreg s5  }
0xd: {  	s14 =	smul.u32 $0x190000, s2;
	s16 =	sadd.s32 $0x2000, s0;
	[dreg:$0x3] =	wrdreg s15  }
0xe: {  	s2 =	simm.s32 $0x12;
	s17 =	sor.u32 $0x1C00, s0;
	[dreg:$0x4] =	wrdreg s16  }
0xf: {  	s7 =	simm.s32 $0x0;
	s18 =	sor.u32 $0x1800, s0;
	[dreg:$0x5] =	wrdreg s17  }
0x10: {  	s8 =	sshrl.u32 s4, $0x3;
	s20 =	sor.u32 $0x1400, s0;
	[dreg:$0x6] =	wrdreg s18  }
0x11: {  	s4 =	sadd.s32 $0xF42E00, s1;
	s22 =	sadd.s32 $0x3800, s0;
	[dreg:$0x7] =	wrdreg s20  }
0x12: {  	s6 =	simm.s32 $0x10;
	s24 =	sadd.s32 $0x3400, s0;
	[dreg:$0x8] =	wrdreg s22  }
0x13: {  	s1 =	sadd.s32 s8, s1;
	s26 =	sadd.s32 $0x3000, s0;
	[dreg:$0x9] =	wrdreg s24  }
0x14: {  	s29 =	sadd.s32 $0x2C00, s0;
	s0 =	sadd.s32 $0x2800, s0;
	[dreg:$0xa] =	wrdreg s26  }
0x15: {  	s8 =	simm.s32 $0x3;
	s1 =	sadd.s32 $0xA00, s1;
	[dreg:$0xb] =	wrdreg s29  }
0x16: {  	[dreg:$0xc] =	wrdreg s0;
	s18 =	simm.s32 $0x80;
	s0 =	simm.s32 $0x6400  }
0x17: {  	s5 =	simm.s32 $0xC400;
	[dreg:$0xd] =	wrdreg s1;
	s1 =	sshrl.u32 s14, $0x3  }
0x18: {  	s26 =	simm.s32 $0xE400;
	s11 =	simm.s32 $0x5;
	s1 =	sadd.s32 s10, s1  }
0x19: {  	s13 =	simm.s32 $0x9;
	s15 =	simm.s32 $0xA;
	s19 =	sadd.s32 $0x30C00, s1  }
0x1a: {  	s16 =	simm.s32 $0xF;
	s21 =	sadd.s32 $0x31000, s1;
	[dreg:$0x13] =	wrdreg s19  }
0x1b: {  	s17 =	simm.s32 $0x11;
	s23 =	sadd.s32 $0x31400, s1;
	[dreg:$0x14] =	wrdreg s21  }
0x1c: {  	s20 =	simm.s32 $0x14;
	s25 =	sadd.s32 $0x31800, s1;
	[dreg:$0x15] =	wrdreg s23  }
0x1d: {  	s14 =	simm.s32 $0xE;
	s1 =	sadd.s32 $0x31C00, s1;
	[dreg:$0x16] =	wrdreg s25  }
0x1e: {  	s10 =	simm.s32 $0x4;
	[dreg:$0x17] =	wrdreg s1;
	s25 =	simm.s32 $0x8400  }
0x1f: {  	s23 =	simm.s32 $0xA400;
	s1 =	simm.s32 $0x2;
	s19 =	simm.s32 $0x13  }
.LBB2_1:
0x20: {  	[dreg:$0x19] =	wrdreg s7  }
0x21: {  	s22 =	rddreg [dreg:$0xd];
	s30 =	simm.s32 $0x15  }
0x22: {  	[tilespmem:s3], [sflag:$0x15] =	stream.linear.gather [hbm4b:s22+s3], $0x6400, $0x38;
	[tilespmem:$0x1A400] =	vst v63  }
0x23: {  	_ =	swait.ge [sflag:s30], $0x6400  }
0x24: {  	[sflag:s30] =	ssyncset.done $0x0  }
0x25: {  	[sflag:s30] =	ssyncadd.s32 $0xFFFF9C00  }
0x26: {  	[tilespmem:s0], [sflag:$0x1] =	stream.indirect.gather [hbm4b:s4+s18], $0x40, s3, s18, $0xb8;
	[tilespmem:$0x1A400] =	vst v63  }
0x27: {  	_ = 	snop  }
0x28: {  	[tilespmem:s25], [sflag:$0x2] =	stream.indirect.gather [hbm4b:s4+s18], $0x40, s18, s18, $0xb8;
	[tilespmem:$0x1A400] =	vst v63  }
0x29: {  	s7 =	simm.s32 $0x100  }
0x2a: {  	[tilespmem:s23], [sflag:$0x3] =	stream.indirect.gather [hbm4b:s4+s18], $0x40, s7, s18, $0xb8;
	[tilespmem:$0x1A400] =	vst v63  }
0x2b: {  	s9 =	simm.s32 $0x180  }
0x2c: {  	[tilespmem:s5], [sflag:$0x4] =	stream.indirect.gather [hbm4b:s4+s18], $0x40, s9, s18, $0xb8;
	[tilespmem:$0x1A400] =	vst v63  }
0x2d: {  	s12 =	simm.s32 $0x200  }
0x2e: {  	[tilespmem:s26], [sflag:$0x5] =	stream.indirect.gather [hbm4b:s4+s18], $0x40, s12, s18, $0xb8;
	[tilespmem:$0x1A400] =	vst v63  }
0x2f: {  	_ =	swait.ge [sflag:s28], $0x2000  }
0x30: {  	[sflag:s28] =	ssyncset.done $0x0  }
0x31: {  	s21 =	rddreg [dreg:$0xe];
	[sflag:s28] =	ssyncadd.s32 $0xFFFFE000  }
0x32: {  	[hbm4b:s21+s3] =	stream.linear.scatter [tilespmem:s0], [sflag:$0xB], $0x2000, $0x38;
	[tilespmem:$0x1A400] =	vst v63  }
0x33: {  	s24 =	simm.s32 $0x280;
	s21 =	simm.s32 $0x10400  }
0x34: {  	[tilespmem:s21], [sflag:$0x6] =	stream.indirect.gather [hbm4b:s4+s18], $0x40, s24, s18, $0xb8;
	[tilespmem:$0x1A400] =	vst v63  }
0x35: {  	_ =	swait.ge [sflag:s1], $0x2000  }
0x36: {  	[sflag:s1] =	ssyncset.done $0x0  }
0x37: {  	s29 =	rddreg [dreg:$0xf];
	[sflag:s1] =	ssyncadd.s32 $0xFFFFE000  }
0x38: {  	[hbm4b:s29+s3] =	stream.linear.scatter [tilespmem:s25], [sflag:$0xC], $0x2000, $0x38;
	[tilespmem:$0x1A400] =	vst v63  }
0x39: {  	s30 =	simm.s32 $0x300;
	s7 =	simm.s32 $0x12400  }
0x3a: {  	[tilespmem:s7], [sflag:$0x7] =	stream.indirect.gather [hbm4b:s4+s18], $0x40, s30, s18, $0xb8;
	[tilespmem:$0x1A400] =	vst v63  }
0x3b: {  	_ =	swait.ge [sflag:s8], $0x2000  }
0x3c: {  	[sflag:s8] =	ssyncset.done $0x0  }
0x3d: {  	s9 =	rddreg [dreg:$0x10];
	[sflag:s8] =	ssyncadd.s32 $0xFFFFE000  }
0x3e: {  	[hbm4b:s9+s3] =	stream.linear.scatter [tilespmem:s23], [sflag:$0xD], $0x2000, $0x38;
	[tilespmem:$0x1A400] =	vst v63  }
0x3f: {  	s12 =	simm.s32 $0x380;
	s9 =	simm.s32 $0x14400  }
0x40: {  	[tilespmem:s9], [sflag:$0x8] =	stream.indirect.gather [hbm4b:s4+s18], $0x40, s12, s18, $0xb8;
	[tilespmem:$0x1A400] =	vst v63  }
0x41: {  	_ =	swait.ge [sflag:s10], $0x2000  }
0x42: {  	[sflag:s10] =	ssyncset.done $0x0  }
0x43: {  	s24 =	rddreg [dreg:$0x11];
	[sflag:s10] =	ssyncadd.s32 $0xFFFFE000  }
0x44: {  	[hbm4b:s24+s3] =	stream.linear.scatter [tilespmem:s5], [sflag:$0xE], $0x2000, $0x38;
	[tilespmem:$0x1A400] =	vst v63  }
0x45: {  	s29 =	simm.s32 $0x400;
	s12 =	simm.s32 $0x16400  }
0x46: {  	[tilespmem:s12], [sflag:$0x9] =	stream.indirect.gather [hbm4b:s4+s18], $0x40, s29, s18, $0xb8;
	[tilespmem:$0x1A400] =	vst v63  }
0x47: {  	_ =	swait.ge [sflag:s11], $0x2000  }
0x48: {  	[sflag:s11] =	ssyncset.done $0x0  }
0x49: {  	s30 =	rddreg [dreg:$0x12];
	[sflag:s11] =	ssyncadd.s32 $0xFFFFE000  }
0x4a: {  	[hbm4b:s30+s3] =	stream.linear.scatter [tilespmem:s26], [sflag:$0xF], $0x2000, $0x38;
	[tilespmem:$0x1A400] =	vst v63  }
0x4b: {  	s24 =	simm.s32 $0x480;
	s29 =	simm.s32 $0x18400  }
0x4c: {  	[tilespmem:s29], [sflag:$0xA] =	stream.indirect.gather [hbm4b:s4+s18], $0x40, s24, s18, $0xb8;
	[tilespmem:$0x1A400] =	vst v63  }
0x4d: {  	s24 =	simm.s32 $0x6  }
0x4e: {  	_ =	swait.ge [sflag:s24], $0x2000  }
0x4f: {  	[sflag:s24] =	ssyncset.done $0x0  }
0x50: {  	s30 =	rddreg [dreg:$0x7];
	[sflag:s24] =	ssyncadd.s32 $0xFFFFE000  }
0x51: {  	s24 =	rddreg [dreg:$0x1]  }
0x52: {  	s22 =	sadd.s32 s24, s30;
	s30 =	simm.s32 $0xB  }
0x53: {  	[hbm4b:s22+s3] =	stream.linear.scatter [tilespmem:s21], [sflag:$0x10], $0x2000, $0x38;
	[tilespmem:$0x1A400] =	vst v63  }
0x54: {  	_ =	swait.ge [sflag:s30], $0x2000  }
0x55: {  	[sflag:s30] =	ssyncset.done $0x0  }
0x56: {  	[sflag:s30] =	ssyncadd.s32 $0xFFFFE000;
	s30 =	simm.s32 $0x500  }
0x57: {  	[tilespmem:s0], [sflag:$0x1] =	stream.indirect.gather [hbm4b:s4+s18], $0x40, s30, s18, $0xb8;
	[tilespmem:$0x1A400] =	vst v63  }
0x58: {  	s30 =	simm.s32 $0x7  }
0x59: {  	_ =	swait.ge [sflag:s30], $0x2000  }
0x5a: {  	s22 =	rddreg [dreg:$0x6];
	[sflag:s30] =	ssyncset.done $0x0  }
0x5b: {  	[sflag:s30] =	ssyncadd.s32 $0xFFFFE000;
	s22 =	sadd.s32 s24, s22;
	s30 =	simm.s32 $0xC  }
0x5c: {  	[hbm4b:s22+s3] =	stream.linear.scatter [tilespmem:s7], [sflag:$0x11], $0x2000, $0x38;
	[tilespmem:$0x1A400] =	vst v63  }
0x5d: {  	_ =	swait.ge [sflag:s30], $0x2000  }
0x5e: {  	[sflag:s30] =	ssyncset.done $0x0  }
0x5f: {  	[sflag:s30] =	ssyncadd.s32 $0xFFFFE000;
	s30 =	simm.s32 $0x580  }
0x60: {  	[tilespmem:s25], [sflag:$0x2] =	stream.indirect.gather [hbm4b:s4+s18], $0x40, s30, s18, $0xb8;
	[tilespmem:$0x1A400] =	vst v63  }
0x61: {  	s30 =	simm.s32 $0x8  }
0x62: {  	_ =	swait.ge [sflag:s30], $0x2000  }
0x63: {  	s22 =	rddreg [dreg:$0x5];
	[sflag:s30] =	ssyncset.done $0x0  }
0x64: {  	[sflag:s30] =	ssyncadd.s32 $0xFFFFE000;
	s22 =	sadd.s32 s24, s22;
	s30 =	simm.s32 $0xD  }
0x65: {  	[hbm4b:s22+s3] =	stream.linear.scatter [tilespmem:s9], [sflag:$0x12], $0x2000, $0x38;
	[tilespmem:$0x1A400] =	vst v63  }
0x66: {  	_ =	swait.ge [sflag:s30], $0x2000  }
0x67: {  	[sflag:s30] =	ssyncset.done $0x0  }
0x68: {  	[sflag:s30] =	ssyncadd.s32 $0xFFFFE000;
	s30 =	simm.s32 $0x600  }
0x69: {  	[tilespmem:s23], [sflag:$0x3] =	stream.indirect.gather [hbm4b:s4+s18], $0x40, s30, s18, $0xb8;
	[tilespmem:$0x1A400] =	vst v63  }
0x6a: {  	_ =	swait.ge [sflag:s13], $0x2000  }
0x6b: {  	s30 =	rddreg [dreg:$0x4];
	[sflag:s13] =	ssyncset.done $0x0  }
0x6c: {  	[sflag:s13] =	ssyncadd.s32 $0xFFFFE000;
	s22 =	sadd.s32 s24, s30  }
0x6d: {  	[hbm4b:s22+s3] =	stream.linear.scatter [tilespmem:s12], [sflag:$0x13], $0x2000, $0x38;
	[tilespmem:$0x1A400] =	vst v63  }
0x6e: {  	_ =	swait.ge [sflag:s14], $0x2000  }
0x6f: {  	[sflag:s14] =	ssyncset.done $0x0  }
0x70: {  	s30 =	simm.s32 $0x680;
	[sflag:s14] =	ssyncadd.s32 $0xFFFFE000  }
0x71: {  	[tilespmem:s5], [sflag:$0x4] =	stream.indirect.gather [hbm4b:s4+s18], $0x40, s30, s18, $0xb8;
	[tilespmem:$0x1A400] =	vst v63  }
0x72: {  	_ =	swait.ge [sflag:s15], $0x2000  }
0x73: {  	s30 =	rddreg [dreg:$0x3];
	[sflag:s15] =	ssyncset.done $0x0  }
0x74: {  	[sflag:s15] =	ssyncadd.s32 $0xFFFFE000;
	s22 =	sadd.s32 s24, s30  }
0x75: {  	[hbm4b:s22+s3] =	stream.linear.scatter [tilespmem:s29], [sflag:$0x14], $0x2000, $0x38;
	[tilespmem:$0x1A400] =	vst v63  }
0x76: {  	_ =	swait.ge [sflag:s16], $0x2000  }
0x77: {  	[sflag:s16] =	ssyncset.done $0x0  }
0x78: {  	s30 =	simm.s32 $0x700;
	[sflag:s16] =	ssyncadd.s32 $0xFFFFE000  }
0x79: {  	[tilespmem:s26], [sflag:$0x5] =	stream.indirect.gather [hbm4b:s4+s18], $0x40, s30, s18, $0xb8;
	[tilespmem:$0x1A400] =	vst v63  }
0x7a: {  	_ =	swait.ge [sflag:s28], $0x2000  }
0x7b: {  	s29 =	rddreg [dreg:$0xc];
	[sflag:s28] =	ssyncset.done $0x0  }
0x7c: {  	[sflag:s28] =	ssyncadd.s32 $0xFFFFE000;
	s22 =	sadd.s32 s24, s29  }
0x7d: {  	[hbm4b:s22+s3] =	stream.linear.scatter [tilespmem:s0], [sflag:$0xB], $0x2000, $0x38;
	[tilespmem:$0x1A400] =	vst v63  }
0x7e: {  	_ =	swait.ge [sflag:s6], $0x2000  }
0x7f: {  	[sflag:s6] =	ssyncset.done $0x0  }
0x80: {  	s30 =	simm.s32 $0x780;
	[sflag:s6] =	ssyncadd.s32 $0xFFFFE000  }
0x81: {  	[tilespmem:s21], [sflag:$0x6] =	stream.indirect.gather [hbm4b:s4+s18], $0x40, s30, s18, $0xb8;
	[tilespmem:$0x1A400] =	vst v63  }
0x82: {  	_ =	swait.ge [sflag:s1], $0x2000  }
0x83: {  	s0 =	rddreg [dreg:$0xb];
	[sflag:s1] =	ssyncset.done $0x0  }
0x84: {  	[sflag:s1] =	ssyncadd.s32 $0xFFFFE000;
	s22 =	sadd.s32 s24, s0  }
0x85: {  	[hbm4b:s22+s3] =	stream.linear.scatter [tilespmem:s25], [sflag:$0xC], $0x2000, $0x38;
	[tilespmem:$0x1A400] =	vst v63  }
0x86: {  	_ =	swait.ge [sflag:s17], $0x2000  }
0x87: {  	[sflag:s17] =	ssyncset.done $0x0  }
0x88: {  	s1 =	simm.s32 $0x800;
	[sflag:s17] =	ssyncadd.s32 $0xFFFFE000  }
0x89: {  	[tilespmem:s7], [sflag:$0x7] =	stream.indirect.gather [hbm4b:s4+s18], $0x40, s1, s18, $0xb8;
	[tilespmem:$0x1A400] =	vst v63  }
0x8a: {  	_ =	swait.ge [sflag:s8], $0x2000  }
0x8b: {  	s21 =	rddreg [dreg:$0xa];
	[sflag:s8] =	ssyncset.done $0x0  }
0x8c: {  	[sflag:s8] =	ssyncadd.s32 $0xFFFFE000;
	s22 =	sadd.s32 s24, s21  }
0x8d: {  	[hbm4b:s22+s3] =	stream.linear.scatter [tilespmem:s23], [sflag:$0xD], $0x2000, $0x38;
	[tilespmem:$0x1A400] =	vst v63  }
0x8e: {  	_ =	swait.ge [sflag:s2], $0x2000  }
0x8f: {  	[sflag:s2] =	ssyncset.done $0x0  }
0x90: {  	s23 =	simm.s32 $0x880;
	[sflag:s2] =	ssyncadd.s32 $0xFFFFE000  }
0x91: {  	[tilespmem:s9], [sflag:$0x8] =	stream.indirect.gather [hbm4b:s4+s18], $0x40, s23, s18, $0xb8;
	[tilespmem:$0x1A400] =	vst v63  }
0x92: {  	_ =	swait.ge [sflag:s10], $0x2000  }
0x93: {  	s25 =	rddreg [dreg:$0x9];
	[sflag:s10] =	ssyncset.done $0x0  }
0x94: {  	[sflag:s10] =	ssyncadd.s32 $0xFFFFE000;
	s22 =	sadd.s32 s24, s25  }
0x95: {  	[hbm4b:s22+s3] =	stream.linear.scatter [tilespmem:s5], [sflag:$0xE], $0x2000, $0x38;
	[tilespmem:$0x1A400] =	vst v63  }
0x96: {  	_ =	swait.ge [sflag:s19], $0x2000  }
0x97: {  	s29 =	simm.s32 $0x900;
	[sflag:s19] =	ssyncset.done $0x0  }
0x98: {  	s28 =	simm.s32 $0xE400;
	s0 =	simm.s32 $0x6400;
	[sflag:s19] =	ssyncadd.s32 $0xFFFFE000  }
0x99: {  	[tilespmem:s12], [sflag:$0x9] =	stream.indirect.gather [hbm4b:s4+s18], $0x40, s29, s18, $0xb8;
	[tilespmem:$0x1A400] =	vst v63  }
0x9a: {  	s1 =	simm.s32 $0x2;
	s8 =	simm.s32 $0x3;
	_ =	swait.ge [sflag:s11], $0x2000  }
0x9b: {  	s23 =	simm.s32 $0xA400;
	s30 =	rddreg [dreg:$0x8];
	[sflag:s11] =	ssyncset.done $0x0  }
0x9c: {  	s25 =	simm.s32 $0x8400;
	[sflag:s11] =	ssyncadd.s32 $0xFFFFE000;
	s22 =	sadd.s32 s24, s30  }
0x9d: {  	[hbm4b:s22+s3] =	stream.linear.scatter [tilespmem:s26], [sflag:$0xF], $0x2000, $0x38;
	[tilespmem:$0x1A400] =	vst v63  }
0x9e: {  	s10 =	simm.s32 $0x4;
	s5 =	simm.s32 $0xC400;
	_ =	swait.ge [sflag:s20], $0x2000  }
0x9f: {  	s24 =	sadd.s32 $0x2800, s24;
	s11 =	simm.s32 $0x5;
	[sflag:s20] =	ssyncset.done $0x0  }
0xa0: {  	s22 =	simm.s32 $0x1400;
	s26 =	simm.s32 $0x980;
	[sflag:s20] =	ssyncadd.s32 $0xFFFFE000  }
.LBB2_2:
0xa1: {  	s29 =	simm.s32 $0x18400;
	s7 =	simm.s32 $0x6  }
0xa2: {  	[tilespmem:s29], [sflag:$0xA] =	stream.indirect.gather [hbm4b:s4+s18], $0x40, s26, s18, $0xb8;
	[tilespmem:$0x1A400] =	vst v63  }
0xa3: {  	_ =	swait.ge [sflag:s7], $0x2000  }
0xa4: {  	s30 =	rddreg [dreg:$0x7];
	[sflag:s7] =	ssyncset.done $0x0  }
0xa5: {  	s21 =	simm.s32 $0x10400;
	[sflag:s7] =	ssyncadd.s32 $0xFFFFE000;
	s30 =	sadd.s32 s24, s30  }
0xa6: {  	[hbm4b:s30+s3] =	stream.linear.scatter [tilespmem:s21], [sflag:$0x10], $0x2000, $0x38;
	[tilespmem:$0x1A400] =	vst v63  }
0xa7: {  	s30 =	simm.s32 $0xB  }
0xa8: {  	s12 =	smov.u32 s22;
	_ =	swait.ge [sflag:s30], $0x2000  }
0xa9: {  	s26 =	sshra.s32 s12, $0x2;
	[sflag:s30] =	ssyncset.done $0x0  }
0xaa: {  	s9 =	simm.s32 $0x7;
	s7 =	sadd.s32 $0x500, s26;
	[sflag:s30] =	ssyncadd.s32 $0xFFFFE000  }
0xab: {  	[tilespmem:s0], [sflag:$0x1] =	stream.indirect.gather [hbm4b:s4+s18], $0x40, s7, s18, $0xb8;
	[tilespmem:$0x1A400] =	vst v63  }
0xac: {  	_ =	swait.ge [sflag:s9], $0x2000  }
0xad: {  	s7 =	simm.s32 $0x12400;
	s12 =	rddreg [dreg:$0x6];
	[sflag:s9] =	ssyncset.done $0x0  }
0xae: {  	[sflag:s9] =	ssyncadd.s32 $0xFFFFE000;
	s30 =	sadd.s32 s24, s12;
	s9 =	simm.s32 $0xC  }
0xaf: {  	[hbm4b:s30+s3] =	stream.linear.scatter [tilespmem:s7], [sflag:$0x11], $0x2000, $0x38;
	[tilespmem:$0x1A400] =	vst v63  }
0xb0: {  	_ =	swait.ge [sflag:s9], $0x2000  }
0xb1: {  	[sflag:s9] =	ssyncset.done $0x0  }
0xb2: {  	[sflag:s9] =	ssyncadd.s32 $0xFFFFE000;
	s9 =	sadd.s32 $0x580, s26  }
0xb3: {  	[tilespmem:s25], [sflag:$0x2] =	stream.indirect.gather [hbm4b:s4+s18], $0x40, s9, s18, $0xb8;
	[tilespmem:$0x1A400] =	vst v63  }
0xb4: {  	s9 =	simm.s32 $0x8  }
0xb5: {  	_ =	swait.ge [sflag:s9], $0x2000  }
0xb6: {  	[sflag:s9] =	ssyncset.done $0x0  }
0xb7: {  	s12 =	rddreg [dreg:$0x5];
	[sflag:s9] =	ssyncadd.s32 $0xFFFFE000  }
0xb8: {  	s30 =	sadd.s32 s24, s12;
	s9 =	simm.s32 $0x14400;
	s12 =	simm.s32 $0xD  }
0xb9: {  	[hbm4b:s30+s3] =	stream.linear.scatter [tilespmem:s9], [sflag:$0x12], $0x2000, $0x38;
	[tilespmem:$0x1A400] =	vst v63  }
0xba: {  	_ =	swait.ge [sflag:s12], $0x2000  }
0xbb: {  	[sflag:s12] =	ssyncset.done $0x0  }
0xbc: {  	[sflag:s12] =	ssyncadd.s32 $0xFFFFE000;
	s12 =	sadd.s32 $0x600, s26  }
0xbd: {  	[tilespmem:s23], [sflag:$0x3] =	stream.indirect.gather [hbm4b:s4+s18], $0x40, s12, s18, $0xb8;
	[tilespmem:$0x1A400] =	vst v63  }
0xbe: {  	_ =	swait.ge [sflag:s13], $0x2000  }
0xbf: {  	s12 =	rddreg [dreg:$0x4];
	[sflag:s13] =	ssyncset.done $0x0  }
0xc0: {  	[sflag:s13] =	ssyncadd.s32 $0xFFFFE000;
	s30 =	sadd.s32 s24, s12;
	s12 =	simm.s32 $0x16400  }
0xc1: {  	[hbm4b:s30+s3] =	stream.linear.scatter [tilespmem:s12], [sflag:$0x13], $0x2000, $0x38;
	[tilespmem:$0x1A400] =	vst v63  }
0xc2: {  	_ =	swait.ge [sflag:s14], $0x2000  }
0xc3: {  	[sflag:s14] =	ssyncset.done $0x0  }
0xc4: {  	s30 =	sadd.s32 $0x680, s26;
	[sflag:s14] =	ssyncadd.s32 $0xFFFFE000  }
0xc5: {  	[tilespmem:s5], [sflag:$0x4] =	stream.indirect.gather [hbm4b:s4+s18], $0x40, s30, s18, $0xb8;
	[tilespmem:$0x1A400] =	vst v63  }
0xc6: {  	_ =	swait.ge [sflag:s15], $0x2000  }
0xc7: {  	s30 =	rddreg [dreg:$0x3];
	[sflag:s15] =	ssyncset.done $0x0  }
0xc8: {  	[sflag:s15] =	ssyncadd.s32 $0xFFFFE000;
	s30 =	sadd.s32 s24, s30  }
0xc9: {  	[hbm4b:s30+s3] =	stream.linear.scatter [tilespmem:s29], [sflag:$0x14], $0x2000, $0x38;
	[tilespmem:$0x1A400] =	vst v63  }
0xca: {  	_ =	swait.ge [sflag:s16], $0x2000  }
0xcb: {  	[sflag:s16] =	ssyncset.done $0x0  }
0xcc: {  	s30 =	sadd.s32 $0x700, s26;
	[sflag:s16] =	ssyncadd.s32 $0xFFFFE000  }
0xcd: {  	[tilespmem:s28], [sflag:$0x5] =	stream.indirect.gather [hbm4b:s4+s18], $0x40, s30, s18, $0xb8;
	[tilespmem:$0x1A400] =	vst v63  }
0xce: {  	_ =	swait.ge [sflag:s31], $0x2000  }
0xcf: {  	s30 =	rddreg [dreg:$0xc];
	[sflag:s31] =	ssyncset.done $0x0  }
0xd0: {  	[sflag:s31] =	ssyncadd.s32 $0xFFFFE000;
	s30 =	sadd.s32 s24, s30  }
0xd1: {  	[hbm4b:s30+s3] =	stream.linear.scatter [tilespmem:s0], [sflag:$0xB], $0x2000, $0x38;
	[tilespmem:$0x1A400] =	vst v63  }
0xd2: {  	_ =	swait.ge [sflag:s6], $0x2000  }
0xd3: {  	[sflag:s6] =	ssyncset.done $0x0  }
0xd4: {  	s30 =	sadd.s32 $0x780, s26;
	[sflag:s6] =	ssyncadd.s32 $0xFFFFE000  }
0xd5: {  	[tilespmem:s21], [sflag:$0x6] =	stream.indirect.gather [hbm4b:s4+s18], $0x40, s30, s18, $0xb8;
	[tilespmem:$0x1A400] =	vst v63  }
0xd6: {  	_ =	swait.ge [sflag:s1], $0x2000  }
0xd7: {  	s21 =	rddreg [dreg:$0xb];
	[sflag:s1] =	ssyncset.done $0x0  }
0xd8: {  	[sflag:s1] =	ssyncadd.s32 $0xFFFFE000;
	s30 =	sadd.s32 s24, s21  }
0xd9: {  	[hbm4b:s30+s3] =	stream.linear.scatter [tilespmem:s25], [sflag:$0xC], $0x2000, $0x38;
	[tilespmem:$0x1A400] =	vst v63  }
0xda: {  	_ =	swait.ge [sflag:s17], $0x2000  }
0xdb: {  	[sflag:s17] =	ssyncset.done $0x0  }
0xdc: {  	s30 =	sadd.s32 $0x800, s26;
	[sflag:s17] =	ssyncadd.s32 $0xFFFFE000  }
0xdd: {  	[tilespmem:s7], [sflag:$0x7] =	stream.indirect.gather [hbm4b:s4+s18], $0x40, s30, s18, $0xb8;
	[tilespmem:$0x1A400] =	vst v63  }
0xde: {  	_ =	swait.ge [sflag:s8], $0x2000  }
0xdf: {  	s7 =	rddreg [dreg:$0xa];
	[sflag:s8] =	ssyncset.done $0x0  }
0xe0: {  	[sflag:s8] =	ssyncadd.s32 $0xFFFFE000;
	s30 =	sadd.s32 s24, s7  }
0xe1: {  	[hbm4b:s30+s3] =	stream.linear.scatter [tilespmem:s23], [sflag:$0xD], $0x2000, $0x38;
	[tilespmem:$0x1A400] =	vst v63  }
0xe2: {  	_ =	swait.ge [sflag:s2], $0x2000  }
0xe3: {  	[sflag:s2] =	ssyncset.done $0x0  }
0xe4: {  	s30 =	sadd.s32 $0x880, s26;
	[sflag:s2] =	ssyncadd.s32 $0xFFFFE000  }
0xe5: {  	[tilespmem:s9], [sflag:$0x8] =	stream.indirect.gather [hbm4b:s4+s18], $0x40, s30, s18, $0xb8;
	[tilespmem:$0x1A400] =	vst v63  }
0xe6: {  	_ =	swait.ge [sflag:s10], $0x2000  }
0xe7: {  	s9 =	rddreg [dreg:$0x9];
	[sflag:s10] =	ssyncset.done $0x0  }
0xe8: {  	[sflag:s10] =	ssyncadd.s32 $0xFFFFE000;
	s30 =	sadd.s32 s24, s9  }
0xe9: {  	[hbm4b:s30+s3] =	stream.linear.scatter [tilespmem:s5], [sflag:$0xE], $0x2000, $0x38;
	[tilespmem:$0x1A400] =	vst v63  }
0xea: {  	_ =	swait.ge [sflag:s19], $0x2000  }
0xeb: {  	[sflag:s19] =	ssyncset.done $0x0  }
0xec: {  	s30 =	sadd.s32 $0x900, s26;
	[sflag:s19] =	ssyncadd.s32 $0xFFFFE000  }
0xed: {  	[tilespmem:s12], [sflag:$0x9] =	stream.indirect.gather [hbm4b:s4+s18], $0x40, s30, s18, $0xb8;
	[tilespmem:$0x1A400] =	vst v63  }
0xee: {  	p0 =	sne.s32 s22, $0x16800;
	_ =	swait.ge [sflag:s11], $0x2000  }
0xef: {  	s22 =	sadd.s32 $0x1400, s22;
	s12 =	rddreg [dreg:$0x8];
	[sflag:s11] =	ssyncset.done $0x0  }
.Ltmp0:
0xf0: {  	[sflag:s11] =	ssyncadd.s32 $0xFFFFE000;
	s30 =	sadd.s32 s24, s12;
	(pc) =	sbr.rel @p0 .LBB2_2-.Ltmp0, $4  }
0xf1: {  	[hbm4b:s30+s3] =	stream.linear.scatter [tilespmem:s28], [sflag:$0xF], $0x2000, $0x38;
	[tilespmem:$0x1A400] =	vst v63  }
0xf2: {  	s29 =	simm.s32 $0x10400;
	s21 =	simm.s32 $0x12400;
	_ =	swait.ge [sflag:s20], $0x2000  }
0xf3: {  	s7 =	simm.s32 $0x14400;
	s9 =	simm.s32 $0x16400;
	[sflag:s20] =	ssyncset.done $0x0  }
0xf4: {  	s26 =	sadd.s32 $0x980, s26;
	s24 =	sadd.s32 $0x2800, s24;
	[sflag:s20] =	ssyncadd.s32 $0xFFFFE000  }
0xf5: {  	s1 =	simm.s32 $0x18400;
	s0 =	simm.s32 $0x6  }
0xf6: {  	[tilespmem:s1], [sflag:$0xA] =	stream.indirect.gather [hbm4b:s4+s18], $0x40, s26, s18, $0xb8;
	[tilespmem:$0x1A400] =	vst v63  }
0xf7: {  	_ =	swait.ge [sflag:s0], $0x2000  }
0xf8: {  	[sflag:s0] =	ssyncset.done $0x0  }
0xf9: {  	s8 =	simm.s32 $0x7;
	s22 =	rddreg [dreg:$0x13];
	[sflag:s0] =	ssyncadd.s32 $0xFFFFE000  }
0xfa: {  	[hbm4b:s22+s3] =	stream.linear.scatter [tilespmem:s29], [sflag:$0x10], $0x2000, $0x38;
	[tilespmem:$0x1A400] =	vst v63  }
0xfb: {  	_ =	swait.ge [sflag:s8], $0x2000  }
0xfc: {  	[sflag:s8] =	ssyncset.done $0x0  }
0xfd: {  	s11 =	simm.s32 $0x8;
	s10 =	rddreg [dreg:$0x14];
	[sflag:s8] =	ssyncadd.s32 $0xFFFFE000  }
0xfe: {  	[hbm4b:s10+s3] =	stream.linear.scatter [tilespmem:s21], [sflag:$0x11], $0x2000, $0x38;
	[tilespmem:$0x1A400] =	vst v63  }
0xff: {  	_ =	swait.ge [sflag:s11], $0x2000  }
0x100: {  	[sflag:s11] =	ssyncset.done $0x0  }
0x101: {  	s12 =	rddreg [dreg:$0x15];
	[sflag:s11] =	ssyncadd.s32 $0xFFFFE000  }
0x102: {  	[hbm4b:s12+s3] =	stream.linear.scatter [tilespmem:s7], [sflag:$0x12], $0x2000, $0x38;
	[tilespmem:$0x1A400] =	vst v63  }
0x103: {  	_ =	swait.ge [sflag:s13], $0x2000  }
0x104: {  	[sflag:s13] =	ssyncset.done $0x0  }
0x105: {  	s21 =	rddreg [dreg:$0x16];
	[sflag:s13] =	ssyncadd.s32 $0xFFFFE000  }
0x106: {  	[hbm4b:s21+s3] =	stream.linear.scatter [tilespmem:s9], [sflag:$0x13], $0x2000, $0x38;
	[tilespmem:$0x1A400] =	vst v63  }
0x107: {  	_ =	swait.ge [sflag:s15], $0x2000  }
0x108: {  	[sflag:s15] =	ssyncset.done $0x0  }
0x109: {  	s24 =	simm.s32 $0xB;
	s23 =	rddreg [dreg:$0x17];
	[sflag:s15] =	ssyncadd.s32 $0xFFFFE000  }
0x10a: {  	[hbm4b:s23+s3] =	stream.linear.scatter [tilespmem:s1], [sflag:$0x14], $0x2000, $0x38;
	[tilespmem:$0x1A400] =	vst v63  }
0x10b: {  	_ =	swait.ge [sflag:s24], $0x2000  }
0x10c: {  	[sflag:s24] =	ssyncset.done $0x0  }
0x10d: {  	s25 =	simm.s32 $0xC;
	[sflag:s24] =	ssyncadd.s32 $0xFFFFE000  }
0x10e: {  	_ =	swait.ge [sflag:s25], $0x2000  }
0x10f: {  	[sflag:s25] =	ssyncset.done $0x0  }
0x110: {  	s26 =	simm.s32 $0xD;
	[sflag:s25] =	ssyncadd.s32 $0xFFFFE000  }
0x111: {  	_ =	swait.ge [sflag:s26], $0x2000  }
0x112: {  	[sflag:s26] =	ssyncset.done $0x0  }
0x113: {  	[sflag:s26] =	ssyncadd.s32 $0xFFFFE000  }
0x114: {  	_ =	swait.ge [sflag:s14], $0x2000  }
0x115: {  	[sflag:s14] =	ssyncset.done $0x0  }
0x116: {  	[sflag:s14] =	ssyncadd.s32 $0xFFFFE000  }
0x117: {  	_ =	swait.ge [sflag:s16], $0x2000  }
0x118: {  	[sflag:s16] =	ssyncset.done $0x0  }
0x119: {  	[sflag:s16] =	ssyncadd.s32 $0xFFFFE000  }
0x11a: {  	_ =	swait.ge [sflag:s6], $0x2000  }
0x11b: {  	[sflag:s6] =	ssyncset.done $0x0  }
0x11c: {  	[sflag:s6] =	ssyncadd.s32 $0xFFFFE000  }
0x11d: {  	_ =	swait.ge [sflag:s17], $0x2000  }
0x11e: {  	[sflag:s17] =	ssyncset.done $0x0  }
0x11f: {  	[sflag:s17] =	ssyncadd.s32 $0xFFFFE000  }
0x120: {  	_ =	swait.ge [sflag:s2], $0x2000  }
0x121: {  	[sflag:s2] =	ssyncset.done $0x0  }
0x122: {  	[sflag:s2] =	ssyncadd.s32 $0xFFFFE000  }
0x123: {  	_ =	swait.ge [sflag:s19], $0x2000  }
0x124: {  	[sflag:s19] =	ssyncset.done $0x0  }
0x125: {  	[sflag:s19] =	ssyncadd.s32 $0xFFFFE000  }
0x126: {  	_ =	swait.ge [sflag:s20], $0x2000  }
0x127: {  	s29 =	rddreg [dreg:$0x19]  }
0x128: {  	s30 =	rddreg [dreg:$0x18];
	s7 =	sadd.s32 $0x1, s29  }
0x129: {  	p0 =	sne.s32 s7, s30  }
.Ltmp1:
0x12a: {  	_ = 	snop;
	(pc) =	sbr.rel @p0 .LBB2_1-.Ltmp1, $4  }
0x12b: {  	s5 =	simm.s32 $0xC400;
	s28 =	simm.s32 $0x1;
	s0 =	simm.s32 $0x6400  }
0x12c: {  	s8 =	simm.s32 $0x3;
	s10 =	simm.s32 $0x4;
	s11 =	simm.s32 $0x5  }
0x12d: {  	s23 =	simm.s32 $0xA400;
	s1 =	simm.s32 $0x2;
	[sflag:s20] =	ssyncset.done $0x0  }
0x12e: {  	s25 =	simm.s32 $0x8400;
	s26 =	simm.s32 $0xE400;
	[sflag:s20] =	ssyncadd.s32 $0xFFFFE000  }
0x12f: {  	_ =	sfence.sel $0x180000  }
0x130: {  	[bflag:$0x0] =	sbarrier.arrive $0xFFFF  }
0x131: {  	_ =	strace $0x90000047  }
0x132: {  	s0 =	stileid.u32;
	[bflag:$0x2] =	sbarrier.arrive $0xFFFF  }
0x133: {  	p0 =	sne.s32 s0, $0x0;
	s0 =	rddreg [dreg:$0x2]  }
0x134: {  	s0 =	sadd.s32 @!p0 $0x100000, s0  }
0x135: {  	[sflag:s0] =	ssyncadd.tile.s32 @!p0 $0x1;
	_ =	shalt  }
.Lfunc_end2:
_tile_overlayer_lowered:
.L_overlay_start_2:
0x136: {  	(tag) =	ssettag $0x2  }
0x137: {  	s0 =	rddreg [dreg:$0x0];
	s2 =	stileid.u32  }
0x138: {  	s1 =	rddreg [dreg:$0x1];
	p0 =	sne.s32 s2, $0x0  }
0x139: {  	s3 =	rddreg [dreg:$0x2];
	[bflag:$0x3] =	sbarrier.arrive $0xFFFF;
	s2 =	simm.s32 @!p0 $0x1C16  }
0x13a: {  	[timem:s3], [sflag:s2] =	dma.local @!p0 [hbm:s0], s1  }
0x13b: {  	s0 =	simm.s32 @!p0 $0x16  }
0x13c: {  	_ =	swait.ge @!p0 [sflag:s0], s1  }
0x13d: {  	s1 =	ssub.s32 @!p0 $0x0, s1;
	[sflag:s0] =	ssyncset.done @!p0 $0x0  }
0x13e: {  	[sflag:s0] =	ssyncadd.s32 @!p0 s1  }
0x13f: {  	[bflag:$0x3] =	sbarrier.arrive $0xFFFF  }
0x140: {  	_ =	shalt  }

// kernel: sparse-core-data-format-call.cloned.1.call-start
scs
called_computation_lowered:
.L_overlay_start_0:
0x0: {  	s2 =	sld [smem:$0x3FD9]  }
0x1: {  	s3 =	sld [smem:$0x3FFE];
	_ =	sdelay $0x1  }
0x2: {  	s1 =	srdreg.scid  }
0x3: {  	s0 =	sand.u32 $0x1, s1  }
0x4: {  	s18 =	sshll.u32 s0, $0xA;
	s2 =	sadd.s32 s3, s2  }
0x5: {  	s2 =	sadd.s32 s2, s18  }
0x6: {  	[smem:$0x3FC6] =	sst s2  }
0x7: {  	_ = 	snop  }
0x8: {  	s2 =	sld [smem:$0x3FD0];
	(tm) =	ssettm $0x1  }
0x9: {  	s19 =	sld [smem:$0x3FFB];
	_ =	sdelay $0x3  }
0xa: {  	_ =	strace s19  }
0xb: {  	s3 =	sld [smem:$0x3FFC];
	_ =	sdelay $0x3  }
0xc: {  	_ =	strace s3  }
0xd: {  	s3 =	sld [smem:$0x3FFD];
	_ =	sdelay $0x3  }
0xe: {  	_ =	strace s3  }
0xf: {  	_ =	strace $0x8FFFFFFF  }
0x10: {  	s20 =	sld [smem:$0x3FDB];
	_ =	sdelay $0x1  }
0x11: {  	s4 =	simm.s32 $_scs_section_size  }
0x12: {  	s5 =	simm.s32 $_size__tile_overlayer_lowered;
	s6 =	simm.s32 $_tile_overlayer_lowered  }
0x13: {  	s23 =	simm.s32 $0x1BFF;
	s22 =	sshll.u32 s6, $0x1;
	s3 =	sadd.s32 s4, s20  }
0x14: {  	s7 =	simm.s32 $0x0;
	s21 =	sshll.u32 s5, $0x1;
	s5 =	sadd.s32 s22, s3  }
0x15: {  	[timem:s7], [sflag:s23] =	dma.local [hbm:s5], s21  }
0x16: {  	_ =	swait.ge [sflag:s23], s21  }
0x17: {  	s4 =	ssub.s32 $0x0, s21;
	[sflag:s23] =	ssyncset.done $0x0  }
0x18: {  	[sflag:s23] =	ssyncadd.s32 s4;
	_ =	sdelay $0x1  }
0x19: {  	s24 =	simm.s32 $0x1B8B  }
0x1a: {  	_ =	swait.ge [sflag:s24], $0x1  }
0x1b: {  	[sflag:s24] =	ssyncset.done $0x0  }
0x1c: {  	s26 =	simm.s32 $0x1B8E;
	s25 =	sld [smem:$0x3FFE];
	[sflag:s24] =	ssyncadd.s32 $0xFFFFFFFF  }
0x1d: {  	s27 =	simm.s32 $execute0_lowered;
	[smem:$0x3FD2] =	sst s26  }
0x1e: {  	s5 =	sshll.u32 s27, $0x1;
	_ =	strace $0x80000049;
	[dreg:$0x1] =	wrdreg $0xFFFFFFFF  }
0x1f: {  	s28 =	simm.s32 $_size_execute0_lowered;
	s3 =	sadd.s32 s3, s5;
	[dreg:$0x0] =	wrdreg $0x0  }
0x20: {  	s5 =	sshll.u32 s28, $0x1;
	[dreg:$0x2] =	wrdreg s3  }
0x21: {  	[dreg:$0x3] =	wrdreg s5  }
0x22: {  	[dreg:$0x4] =	wrdreg $0xC0  }
0x23: {  	_ =	task [dreg:s7], $0x5FFFF  }
0x24: {  	[dreg:$0x1] =	wrdreg $0xFFFFFFFF  }
0x25: {  	[dreg:$0x0] =	wrdreg $0x60  }
0x26: {  	[dreg:$0x2] =	wrdreg s25  }
0x27: {  	[dreg:$0x3] =	wrdreg s2  }
0x28: {  	[dreg:$0x4] =	wrdreg $0x9  }
0x29: {  	_ =	task.clear_ibuf [dreg:s7], $0x5FFFF;
	_ =	strace $0x90000049  }
0x2a: {  	s29 =	simm.s32 $0x9;
	_ =	strace $0x8000004B  }
0x2b: {  	_ =	swait.ge [sflag:s29], $0x1  }
0x2c: {  	[sflag:s29] =	ssyncadd.s32 $0xFFFFFFFF  }
0x2d: {  	_ =	strace $0x9000004B  }
0x2e: {  	_ =	sfence  }
0x2f: {  	s30 =	sld [smem:$0x0];
	_ =	sdelay $0x2  }
0x30: {  	s31 =	sshll.u32 s1, $0xD;
	s1 =	sshrl.u32 s1, $0x2  }
0x31: {  	s3 =	sand.u32 $0x4000, s31;
	s1 =	sadd.s32 s1, s30  }
0x32: {  	s0 =	sor.u32 s3, s0;
	s1 =	sshll.u32 s1, $0x11  }
0x33: {  	s0 =	sor.u32 s1, s0  }
0x34: {  	s0 =	sadd.s32 $0x8F2B, s0  }
0x35: {  	[sflag:s0] =	ssyncadd.remote.s32 $0x1  }
0x36: {  	_ =	sfence.sel $0xFFFF  }
0x37: {  	[dreg:$0x0] =	wrdreg $0xFFFFFFFF;
	(pc) =	sbr.abs _section_cstart, $3  }
0x38: {  	[dreg:$0x1] =	wrdreg $0xFFFFFFFF  }
0x39: {  	_ =	task.clear_ibuf [dreg:s7], $0x2FFFF;
	_ =	strace $0x9FFFFFFF  }
0x3a: {  	(tm) =	ssettm $0x7FFFFFFF  }
0x3b: {  	_ =	shalt  }
tec
execute0_lowered:
.L_overlay_start_1:
0x0: {  	(tag) =	ssettag $0x1  }
0x1: {  	s0 =	srdreg.scid  }
0x2: {  	s1 =	sshll.u32 s0, $0x4  }
0x3: {  	s0 =	stileid.u32;
	s1 =	sand.u32 $0x10, s1  }
0x4: {  	s1 =	sor.u32 s0, s1  }
0x5: {  	s6 =	rddreg [dreg:$0x0];
	s4 =	simm.s32 $0x1;
	s2 =	sshll.u32 s1, $0x7  }
0x6: {  	s7 =	simm.s32 $0x2;
	s12 =	simm.s32 $0x0;
	s1 =	ssub.s32 $0x1000, s2  }
0x7: {  	s8 =	simm.s32 $0x8000;
	s13 =	simm.s32 $0x0;
	s3 =	sand.u32 $0xF80, s1  }
0x8: {  	s9 =	simm.s32 $0x0;
	s5 =	sshrl.u32 s1, $0xC;
	p0 =	sne.s32 s3, $0x0  }
.Ltmp0:
0x9: {  	s1 =	rddreg [dreg:$0x2];
	s4 =	simm.s32 @!p0 $0x0;
	(pc) =	sbr.rel .LBB1_1-.Ltmp0, $4  }
0xa: {  	s11 =	simm.s32 $0x0;
	s3 =	rddreg [dreg:$0x1];
	s5 =	sadd.s32 s4, s5  }
0xb: {  	_ =	strace $0x8000004A;
	s4 =	simm.s32 $0x1;
	s5 =	smul.u32 $0xC8, s5  }
0xc: {  	s6 =	sadd.s32 $0xA00, s6;
	s10 =	smov.u32 s2;
	[sflag:s4] =	ssyncpa.u1 $0x0  }
0xd: {  	p0 =	por $0x0, $0x0;
	[sflag:s7] =	ssyncpa.u1 $0x0;
	s7 =	sor.u32 $0x1, s5  }
.LBB1_4:
0xe: {  	s16 =	sshll.u32 s13, $0x3;
	s17 =	sand.u32 $0x78, s13  }
0xf: {  	s30 =	sand.u32 $0x7E00, s13;
	s12 =	sshll.u32 s12, $0xF;
	s16 =	sand.u32 $0xC00, s16  }
0x10: {  	[tilespmem:s15+$0x810 ss:$0x81] =	vst.msk $0xffff, v2;
	s31 =	sand.u32 $0x7, s13;
	s16 =	sor.u32 s17, s16;
	s17 =	sadd.s32 s3, s30  }
0x11: {  	[tilespmem:s15+$0x1020 ss:$0x81] =	vst.msk $0xffff, v0;
	s13 =	sshll.u32 s31, $0x12;
	s12 =	sadd.s32 s12, s17;
	s16 =	sshrl.u32 s16, $0x3  }
0x12: {  	[tilespmem:s15+$0x0 ss:$0x81] =	vst.msk $0xffff, v1;
	s13 =	sor.u32 $0x400, s13;
	s12 =	sadd.s32 s16, s12  }
0x13: {  	[hbm4b:s12+s13] =	stream.strided.scatter [tilespmem:s14], [sflag:$0x2], $0x2000, s8, s13, $0x20;
	[tilespmem:$0x8080] =	vst v63  }
.LBB1_5:
0x14: {  	s14 =	sadd.s32 $0x1, s9  }
0x15: {  	s12 =	sadd.s32 $0x1000, s10;
	s16 =	smov.u32 s10;
	p2 =	sgt.s32 s14, $0xC7  }
0x16: {  	s16 =	smov.u32 @p2 s12  }
0x17: {  	s14 =	simm.s32 @p2 $0x0;
	p2 =	sgt.s32 s16, $0xFFF  }
0x18: {  	s16 =	smov.u32 @p2 s2;
	p2 =	sne.s32 s11, s7  }
.Ltmp1:
0x19: {  	p1 =	slt.u32 s11, $0x2;
	(pc) =	sbr.rel @!p2 .LBB1_6-.Ltmp1, $4  }
0x1a: {  	s15 =	simm.s32 @!p1 $0x2  }
0x1b: {  	s13 =	smov.u32 s10;
	p0 =	por !p0, !p0;
	_ =	swait.ge @!p1 [sflag:s15], $0x2000  }
0x1c: {  	s12 =	smov.u32 s9;
	[sflag:s15] =	ssyncset.done @!p1 $0x0;
	s9 =	smov.u32 s14  }
0x1d: {  	s11 =	sadd.s32 $0x1, s11;
	[sflag:s15] =	ssyncadd.s32 @!p1 $0xFFFFE000;
	s10 =	smov.u32 s16  }
.LBB1_1:
0x1e: {  	p1 =	sge.u32 s11, s5  }
0x1f: {  	s14 =	sand.u32 @!p1 $0x1FFFFFF, s9  }
0x20: {  	s15 =	smulhi.u32 @!p1 $0x147AE15, s14;
	_ =	sdelay $0x1  }
0x21: {  	s15 =	smul.u32 @!p1 $0xC8, s15  }
0x22: {  	s16 =	sxor.u32 @!p1 $0xFFFFFFFF, s11;
	s17 =	smul.u32 @!p1 $0xC80, s10  }
0x23: {  	s31 =	sadd.s32 $0xFFFFFFFF, s11;
	s16 =	sshll.u32 @!p1 s16, $0xD;
	s14 =	ssub.s32 @!p1 s14, s15  }
0x24: {  	s15 =	sand.u32 @!p1 $0x2000, s16;
	s16 =	sadd.s32 @!p1 s6, s17;
	s14 =	sshll.u32 @!p1 s14, $0x4  }
0x25: {  	s17 =	simm.s32 @!p1 $0x6400;
	s14 =	sadd.s32 @!p1 s14, s16;
	s16 =	simm.s32 @!p1 $0x40  }
0x26: {  	[tilespmem:s15], [sflag:$0x1] =	stream.strided.gather @!p1 [hbm4b:s14+s16], $0x2000, s17, s16, $0x38;
	[tilespmem:$0x8080] =	vst v63  }
0x27: {  	p1 =	sge.u32 s31, s5  }
.Ltmp2:
0x28: {  	_ = 	snop;
	(pc) =	sbr.rel @p1 .LBB1_5-.Ltmp2, $1  }
0x29: {  	_ =	sdelay $0x3  }
0x2a: {  	s14 =	simm.s32 $0x1  }
0x2b: {  	_ =	swait.ge [sflag:s4], $0x2000;
	s14 =	simm.s32 @!p0 $0x0  }
0x2c: {  	[sflag:s4] =	ssyncset.done $0x0;
	s15 =	sshll.u32 s14, $0xD  }
0x2d: {  	[sflag:s4] =	ssyncadd.s32 $0xFFFFE000;
	s18 =	sor.u32 $0x20, s15  }
0x2e: {  	s14 =	smul.u32 $0x8100, s14;
	v3 =	vld [tilespmem:s18+$0x10]  }
0x2f: {  	s30 =	sand.u32 $0x1, s11;
	v2 =	vld [tilespmem:s18+$0xFFFFFFF0]  }
0x30: {  	s15 =	smul.u32 $0x8100, s30;
	s14 =	sshrl.u32 s14, $0x2;
	v0 =	vld [tilespmem:s18+$0x0]  }
0x31: {  	v1 =	vld [tilespmem:s18+$0xFFFFFFE0];
	s16 =	sor.u32 $0x4000, s14  }
0x32: {  	s31 =	sshrl.u32 s15, $0x2;
	s15 =	sadd.s32 $0x0, s16  }
0x33: {  	s17 =	simm.s32 $0x4;
	s18 =	sadd.s32 $0x40, s18;
	s14 =	sor.u32 $0x4000, s31;
	[tilespmem:s15+$0x1830 ss:$0x81] =	vst.msk $0xffff, v3  }
.LBB1_3:
0x34: {  	v3 =	vld [tilespmem:s18+$0x10];
	p1 =	sne.s32 s17, $0x1FC;
	[tilespmem:s15+$0x810 ss:$0x81] =	vst.msk $0xffff, v2;
	s19 =	smov.u32 s17;
	s17 =	sadd.s32 $0x4, s17  }
.Ltmp3:
0x35: {  	v2 =	vld [tilespmem:s18+$0xFFFFFFF0];
	[tilespmem:s15+$0x1020 ss:$0x81] =	vst.msk $0xffff, v0;
	(pc) =	sbr.rel @p1 .LBB1_3-.Ltmp3, $4  }
0x36: {  	v0 =	vld [tilespmem:s18+$0x0];
	[tilespmem:s15+$0x0 ss:$0x81] =	vst.msk $0xffff, v1  }
0x37: {  	s15 =	sshra.s32 s19, $0x2;
	v1 =	vld [tilespmem:s18+$0xFFFFFFE0]  }
0x38: {  	s15 =	sadd.s32 s15, s16  }
0x39: {  	s18 =	sadd.s32 $0x40, s18;
	[tilespmem:s15+$0x1830 ss:$0x81] =	vst.msk $0xffff, v3  }
.Ltmp4:
0x3a: {  	_ = 	snop;
	(pc) =	sbr.rel .LBB1_4-.Ltmp4, $1  }
0x3b: {  	_ =	sdelay $0x3  }
.LBB1_6:
0x3c: {  	_ =	sfence.sel $0x180000  }
0x3d: {  	s2 =	simm.s32 $0x1;
	[bflag:$0x0] =	sbarrier.arrive $0xFFFF  }
0x3e: {  	s31 =	simm.s32 $0x2;
	[sflag:s2] =	ssyncpa.u1 $0x1  }
0x3f: {  	[sflag:s31] =	ssyncpa.u1 $0x1  }
0x40: {  	p0 =	sne.s32 s0, $0x0;
	_ =	strace $0x9000004A  }
0x41: {  	s0 =	sadd.s32 @!p0 $0x100000, s1;
	[bflag:$0x2] =	sbarrier.arrive $0xFFFF  }
0x42: {  	[sflag:s0] =	ssyncadd.tile.s32 @!p0 $0x1;
	_ =	shalt  }
.Lfunc_end1:
_tile_overlayer_lowered:
.L_overlay_start_2:
0x43: {  	(tag) =	ssettag $0x2  }
0x44: {  	s0 =	rddreg [dreg:$0x0];
	s2 =	stileid.u32  }
0x45: {  	s1 =	rddreg [dreg:$0x1];
	p0 =	sne.s32 s2, $0x0  }
0x46: {  	s3 =	rddreg [dreg:$0x2];
	[bflag:$0x3] =	sbarrier.arrive $0xFFFF;
	s2 =	simm.s32 @!p0 $0x1C01  }
0x47: {  	[timem:s3], [sflag:s2] =	dma.local @!p0 [hbm:s0], s1  }
0x48: {  	s0 =	simm.s32 @!p0 $0x1  }
0x49: {  	_ =	swait.ge @!p0 [sflag:s0], s1  }
0x4a: {  	s1 =	ssub.s32 @!p0 $0x0, s1;
	[sflag:s0] =	ssyncset.done @!p0 $0x0  }
0x4b: {  	[sflag:s0] =	ssyncadd.s32 @!p0 s1  }
0x4c: {  	[bflag:$0x3] =	sbarrier.arrive $0xFFFF  }
0x4d: {  	_ =	shalt  }

</sc_bundles>
